<compile_context>
chip_gen: v7x
topology: tpu7x:2x2x1
jax: 0.10.2.dev20260603
libtpu: 0.0.44.dev20260713+nightly
codegen_flags: <defaults>
</compile_context>

<pallas_src>
import functools

import jax
import jax.numpy as jnp
import numpy as np
from jax import lax
from jax.experimental import pallas as pl
from jax.experimental.pallas import tpu as pltpu
from jax.experimental.pallas import tpu_sc as plsc

_MININT = np.int32(-(2 ** 31))
_MAXPOS = np.int32(0x7FFFFFFF)

_NC = 2
_NSUB = 16
_L = 16


def _sortable(bits):
    return jnp.where(bits >= 0, bits, bits ^ _MAXPOS)



def _scores_kernel(x_ref, w_ref, s_ref):
    xb = x_ref[0]
    s_row = lax.dot_general(
        w_ref[...], xb, (((1,), (1,)), ((), ())),
        preferred_element_type=jnp.float32)
    s_ref[...] = s_row.reshape(s_ref.shape)



def _sc_stats_kernel(scores_hbm, stats_hbm, sc_v, binsm_v, globm_v, idx16_v,
                     t16f, mrd_v, st16, bins_sh, mz_sh, *, seq, k):
    cid = lax.axis_index("c")
    sid = lax.axis_index("s")
    batch = 2 * cid + sid // 8
    bb = sid // 8
    chunk = sid % 8
    n_per = seq // 8
    nv = n_per // _L

    iota = lax.iota(jnp.int32, _L)
    ones_i = jnp.full((_L,), 1, jnp.int32)
    zero_i = jnp.zeros((_L,), jnp.int32)
    zero_f = jnp.zeros((_L,), jnp.float32)

    def _zb(i, c):
        binsm_v[i] = zero_i
        return c

    lax.fori_loop(0, 256 // _L, _zb, 0)

    @pl.when(sid == 0)
    def _():
        for seg in range(8):
            pltpu.sync_copy(binsm_v, bins_sh.at[pl.ds(seg * _L, _L)])

    plsc.subcore_barrier()

    pltpu.sync_copy(scores_hbm.at[batch, 0, pl.ds(chunk * n_per, n_per)],
                    sc_v)

    def _max_body(i, m16):
        return jnp.maximum(m16, sc_v[pl.ds(i * _L, _L)])

    m16 = lax.fori_loop(0, nv, _max_body,
                        jnp.full((_L,), -jnp.inf, jnp.float32))
    m_loc = jnp.max(m16)
    t16f[...] = jnp.full((_L,), m_loc, jnp.float32)
    pltpu.sync_copy(t16f, mz_sh.at[0, bb, chunk])
    plsc.subcore_barrier()
    pltpu.sync_copy(mz_sh.at[0, bb], mrd_v)

    def _mred(i, m16):
        return jnp.maximum(m16, mrd_v[i])

    mx = jnp.max(lax.fori_loop(0, 8, _mred,
                               jnp.full((_L,), -jnp.inf, jnp.float32)))

    p_pref = jnp.int32(0)
    a_cnt = jnp.int32(0)

    for r in range(4):
        if r > 0:
            lax.fori_loop(0, 256 // _L, _zb, 0)

        def _hist(i, carry):
            v = sc_v[pl.ds(i * _L, _L)]
            bits = lax.bitcast_convert_type(v, jnp.int32)
            okey = _sortable(bits) ^ _MININT
            byte = jnp.bitwise_and(
                lax.shift_right_logical(okey, np.int32(24 - 8 * r)),
                np.int32(255))
            bhi = lax.shift_right_logical(byte, np.int32(4))
            blo = jnp.bitwise_and(byte, np.int32(15))
            if r == 0:
                plsc.addupdate_scatter(binsm_v, [bhi, blo], ones_i)
            else:
                pref = lax.shift_right_logical(okey, np.int32(32 - 8 * r))
                plsc.addupdate_scatter(binsm_v, [bhi, blo], ones_i,
                                       mask=pref == carry)
            return carry

        lax.fori_loop(0, nv, _hist, p_pref)

        base_row = (2 * r + bb) * _L
        idx16_v[...] = base_row + iota
        pltpu.sync_copy(binsm_v, bins_sh.at[idx16_v], add=True)
        plsc.subcore_barrier()
        pltpu.sync_copy(bins_sh.at[pl.ds(base_row, _L)], globm_v)

        t_need = jnp.int32(k) - a_cnt

        def _scan(i, carry):
            acc, jstar = carry
            c = 15 - i
            cnt = globm_v[c]
            pre = plsc.cumsum(cnt)
            tot = jnp.sum(cnt)
            sfx = acc + tot - pre + cnt
            idxv = jnp.where(sfx >= t_need, iota + c * _L, -1)
            jstar = jnp.maximum(jstar, jnp.max(idxv))
            return acc + tot, jstar

        _, jstar = lax.fori_loop(0, 256 // _L, _scan,
                                 (jnp.int32(0), jnp.int32(-1)))

        def _above(i, acc):
            cnt = globm_v[i]
            sel = (iota + i * _L) > jstar
            return acc + jnp.sum(jnp.where(sel, cnt, 0))

        a_cnt = lax.fori_loop(0, 256 // _L, _above, a_cnt)
        p_pref = jnp.bitwise_or(lax.shift_left(p_pref, np.int32(8)), jstar)

    ts = p_pref ^ _MININT

    def _z_body(i, z16):
        v = sc_v[pl.ds(i * _L, _L)]
        bits = lax.bitcast_convert_type(v, jnp.int32)
        sel = _sortable(bits) >= ts
        return z16 + jnp.where(sel, jnp.exp(v - mx), 0.0)

    z16 = lax.fori_loop(0, nv, _z_body, zero_f)
    z_loc = jnp.sum(z16)
    t16f[...] = jnp.where(iota == 0, z_loc, 0.0)
    pltpu.sync_copy(t16f, mz_sh.at[1, bb, chunk])
    plsc.subcore_barrier()

    @pl.when(chunk == 0)
    def _():
        pltpu.sync_copy(mz_sh.at[1, bb], mrd_v)

        def _zred(i, z16):
            return z16 + mrd_v[i]

        z = jnp.sum(lax.fori_loop(0, 8, _zred, zero_f))
        tsf = lax.bitcast_convert_type(jnp.full((_L,), ts, jnp.int32),
                                       jnp.float32)
        st16[...] = jnp.where(iota == 0, tsf,
                              jnp.where(iota == 1, mx, z))
        pltpu.sync_copy(st16, stats_hbm.at[batch, 0])



def _apply_kernel(x_ref, w_ref, stats_ref, o_ref):
    xb = x_ref[0]
    s = lax.dot_general(
        xb, w_ref[...], (((1,), (1,)), ((), ())),
        preferred_element_type=jnp.float32)
    stats = stats_ref[0]
    ts = lax.bitcast_convert_type(stats[0:1, 0:1], jnp.int32)
    mx = stats[0:1, 1:2]
    z = stats[0:1, 2:3]
    key = _sortable(lax.bitcast_convert_type(s, jnp.int32))
    mask = key >= ts
    wgt = jnp.exp(s - mx) / z
    vals = wgt * xb + (1.0 - wgt) * xb
    o_ref[0] = jnp.where(mask, vals, xb)


def kernel(x, W_router):
    B, S, D = x.shape
    k = max(1, int(S * 0.75))
    SB1 = 2048
    NS1 = S // SB1
    SB = 1024
    NS = S // SB

    scores = pl.pallas_call(
        _scores_kernel,
        grid=(B, NS1),
        in_specs=[
            pl.BlockSpec((1, SB1, D), lambda b, i: (b, i, 0)),
            pl.BlockSpec((1, D), lambda b, i: (0, 0)),
        ],
        out_specs=pl.BlockSpec((1, 1, SB1), lambda b, i: (b, 0, i)),
        out_shape=jax.ShapeDtypeStruct((B, 1, S), jnp.float32),
        compiler_params=pltpu.CompilerParams(
            dimension_semantics=("parallel", "parallel")),
    )(x, W_router)

    sc_stats = pl.kernel(
        functools.partial(_sc_stats_kernel, seq=S, k=k),
        out_type=jax.ShapeDtypeStruct((B, 1, _L), jnp.float32),
        mesh=plsc.VectorSubcoreMesh(core_axis_name="c", subcore_axis_name="s"),
        compiler_params=pltpu.CompilerParams(needs_layout_passes=False),
        scratch_types=[
            pltpu.VMEM((S // 8,), jnp.float32),
            pltpu.VMEM((_L, _L), jnp.int32),
            pltpu.VMEM((_L, _L), jnp.int32),
            pltpu.VMEM((_L,), jnp.int32),
            pltpu.VMEM((_L,), jnp.float32),
            pltpu.VMEM((8, _L), jnp.float32),
            pltpu.VMEM((_L,), jnp.float32),
            pltpu.VMEM_SHARED((8 * _L, _L), jnp.int32),
            pltpu.VMEM_SHARED((2, 2, 8, _L), jnp.float32),
        ],
    )
    stats = sc_stats(scores)

    out = pl.pallas_call(
        _apply_kernel,
        grid=(B, NS),
        in_specs=[
            pl.BlockSpec((1, SB, D), lambda b, i: (b, i, 0)),
            pl.BlockSpec((1, D), lambda b, i: (0, 0)),
            pl.BlockSpec((1, 1, _L), lambda b, i: (b, 0, 0)),
        ],
        out_specs=pl.BlockSpec((1, SB, D), lambda b, i: (b, i, 0)),
        out_shape=jax.ShapeDtypeStruct((B, S, D), jnp.float32),
        compiler_params=pltpu.CompilerParams(
            dimension_semantics=("parallel", "parallel")),
    )(x, W_router, stats)
    return out

# --- scband reference (transcript-rebuilt; emitter-appended) ---
"""Pipeline reference for scband-mo-dgpt-34428457844856 (READ-ONLY COPY).

The authoritative reference and input builder live on the scoring server;
editing this copy changes nothing except your own understanding.
"""

import jax, jax.numpy as jnp
import numpy as np

BSZ, SEQ, DIM = 4, 8192, 1024
CAPACITY = 0.75


def setup_inputs(seed: int = 0) -> dict:
    key = jax.random.key(seed)
    k1, k2 = jax.random.split(key)
    x = jax.random.normal(k1, (BSZ, SEQ, DIM), dtype=jnp.float32)
    # MoDRouter: nn.Linear(dim, 1, bias=False), init std=0.02
    W_router = jax.random.normal(k2, (1, DIM), dtype=jnp.float32) * 0.02
    return {"x": x, "W_router": W_router}


def reference(x, W_router):
    # MoDRouter.forward + MoDBlock routing path with identity block,
    # then MoDRouter.scatter_back (straight-through weighted scatter).
    bsz, seq_len, dim = x.shape
    k = max(1, int(seq_len * CAPACITY))
    # scores = router(x).squeeze(-1)  -> (B, S)
    scores = jnp.einsum('bsd,od->bso', x, W_router)[..., 0]
    # top-k over sequence dim, sorted descending (matches torch.topk sorted=True)
    topk_scores, indices = jax.lax.top_k(scores, k)
    # routed_x = gather(x, 1, idx)
    routed_x = jnp.take_along_axis(x, indices[..., None], axis=1)
    # block(routed_x, routed_x0): Block internals unavailable (truncated); identity stand-in
    processed = routed_x
    # scatter_back: straight-through softmax weighting
    weights = jax.nn.softmax(topk_scores, axis=1)[..., None]  # (B, k, 1)
    original_at_indices = routed_x
    vals = processed * weights + (1.0 - weights) * original_at_indices
    b_idx = jnp.arange(bsz)[:, None]
    output = x.at[b_idx, indices].set(vals)
    return output


if False:  # reference __main__ guard neutralized (emitter)
    inp = setup_inputs()
    out = reference(**inp)
    print(out.shape, out.dtype)

if __name__ == "__main__":
    import jax
    _d = setup_inputs()
    print(jax.jit(kernel)(*tuple(_d.values())))

</pallas_src>

<mosaic_0001>
#map = affine_map<(d0, d1) -> (0, 0, 0)>
module attributes {stable_mosaic.version = 14 : i64} {
  func.func @_sc_stats_kernel(%arg0: i32, %arg1: i32, %arg2: memref<4x1x8192xf32, #tpu.memory_space<hbm>>, %arg3: memref<4x1x16xf32, #tpu.memory_space<hbm>>, %arg4: memref<1024xf32, #tpu.memory_space<vmem>>, %arg5: memref<16x16xi32, #tpu.memory_space<vmem>>, %arg6: memref<16x16xi32, #tpu.memory_space<vmem>>, %arg7: memref<16xi32, #tpu.memory_space<vmem>>, %arg8: memref<16xf32, #tpu.memory_space<vmem>>, %arg9: memref<8x16xf32, #tpu.memory_space<vmem>>, %arg10: memref<16xf32, #tpu.memory_space<vmem>>, %arg11: memref<128x16xi32, #tpu.memory_space<vmem_shared>>, %arg12: memref<2x2x8x16xf32, #tpu.memory_space<vmem_shared>>) attributes {dimension_semantics = [#tpu.dimension_semantics<core_parallel>, #tpu.dimension_semantics<subcore_parallel>], iteration_bounds = array<i64: 2, 16>, scalar_prefetch = 0 : i64, scratch_operands = 9 : i64, tpu.core_type = #tpu.core_type<sc_vector_subcore>, window_params = [{transform_indices = #map}, {transform_indices = #map}]} {
    %mul3A = arith.constant 2 : i32
    %mul3A_0 = arith.muli %mul3A, %arg0 : i32
    %jit3A = arith.constant 8 : i32
    %div3A = arith.divsi %arg1, %jit3A : i32
    %sign3A = arith.constant 0 : i32
    %sign3A_1 = arith.cmpi sgt, %arg1, %sign3A : i32
    %sign3A_2 = arith.extui %sign3A_1 : i1 to i32
    %sign3A_3 = arith.constant 0 : i32
    %sign3A_4 = arith.cmpi slt, %arg1, %sign3A_3 : i32
    %sign3A_5 = arith.extui %sign3A_4 : i1 to i32
    %sign3A_6 = arith.subi %sign3A_2, %sign3A_5 : i32
    %sign3A_7 = arith.constant 0 : i32
    %sign3A_8 = arith.cmpi sgt, %jit3A, %sign3A_7 : i32
    %sign3A_9 = arith.extui %sign3A_8 : i1 to i32
    %sign3A_10 = arith.constant 0 : i32
    %sign3A_11 = arith.cmpi slt, %jit3A, %sign3A_10 : i32
    %sign3A_12 = arith.extui %sign3A_11 : i1 to i32
    %sign3A_13 = arith.subi %sign3A_9, %sign3A_12 : i32
    %ne3A = arith.cmpi ne, %sign3A_6, %sign3A_13 : i32
    %rem3A = arith.remsi %arg1, %jit3A : i32
    %ne3A_14 = arith.constant 0 : i32
    %ne3A_15 = arith.cmpi ne, %rem3A, %ne3A_14 : i32
    %and3A = arith.andi %ne3A, %ne3A_15 : i1
    %sub3A = arith.constant 1 : i32
    %sub3A_16 = arith.subi %div3A, %sub3A : i32
    %select_n3A = arith.select %and3A, %sub3A_16, %div3A : i32
    %add3A = arith.addi %mul3A_0, %select_n3A : i32
    %jit3A_17 = arith.constant 8 : i32
    %div3A_18 = arith.divsi %arg1, %jit3A_17 : i32
    %sign3A_19 = arith.constant 0 : i32
    %sign3A_20 = arith.cmpi sgt, %arg1, %sign3A_19 : i32
    %sign3A_21 = arith.extui %sign3A_20 : i1 to i32
    %sign3A_22 = arith.constant 0 : i32
    %sign3A_23 = arith.cmpi slt, %arg1, %sign3A_22 : i32
    %sign3A_24 = arith.extui %sign3A_23 : i1 to i32
    %sign3A_25 = arith.subi %sign3A_21, %sign3A_24 : i32
    %sign3A_26 = arith.constant 0 : i32
    %sign3A_27 = arith.cmpi sgt, %jit3A_17, %sign3A_26 : i32
    %sign3A_28 = arith.extui %sign3A_27 : i1 to i32
    %sign3A_29 = arith.constant 0 : i32
    %sign3A_30 = arith.cmpi slt, %jit3A_17, %sign3A_29 : i32
    %sign3A_31 = arith.extui %sign3A_30 : i1 to i32
    %sign3A_32 = arith.subi %sign3A_28, %sign3A_31 : i32
    %ne3A_33 = arith.cmpi ne, %sign3A_25, %sign3A_32 : i32
    %rem3A_34 = arith.remsi %arg1, %jit3A_17 : i32
    %ne3A_35 = arith.constant 0 : i32
    %ne3A_36 = arith.cmpi ne, %rem3A_34, %ne3A_35 : i32
    %and3A_37 = arith.andi %ne3A_33, %ne3A_36 : i1
    %sub3A_38 = arith.constant 1 : i32
    %sub3A_39 = arith.subi %div3A_18, %sub3A_38 : i32
    %select_n3A_40 = arith.select %and3A_37, %sub3A_39, %div3A_18 : i32
    %jit3A_41 = arith.constant 8 : i32
    %eq3A = arith.constant 0 : i32
    %eq3A_42 = arith.cmpi eq, %jit3A_41, %eq3A : i32
    %jit3A_43 = arith.constant 1 : i32
    %select_n3A_44 = arith.select %eq3A_42, %jit3A_43, %jit3A_41 : i32
    %rem3A_45 = arith.remsi %arg1, %select_n3A_44 : i32
    %ne3A_46 = arith.constant 0 : i32
    %ne3A_47 = arith.cmpi ne, %rem3A_45, %ne3A_46 : i32
    %lt3A = arith.constant 0 : i32
    %lt3A_48 = arith.cmpi slt, %rem3A_45, %lt3A : i32
    %lt3A_49 = arith.constant 0 : i32
    %lt3A_50 = arith.cmpi slt, %select_n3A_44, %lt3A_49 : i32
    %ne3A_51 = arith.xori %lt3A_48, %lt3A_50 : i1
    %and3A_52 = arith.andi %ne3A_51, %ne3A_47 : i1
    %add3A_53 = arith.addi %rem3A_45, %select_n3A_44 : i32
    %select_n3A_54 = arith.select %and3A_52, %add3A_53, %rem3A_45 : i32
    %iota3A = tpu.iota {dimensions = array<i32: 0>} : vector<16xi32>
    %broadcast_in_dim3A = arith.constant 1 : i32
    %broadcast_in_dim3A_55 = vector.broadcast %broadcast_in_dim3A : i32 to vector<16xi32>
    %broadcast_in_dim3A_56 = arith.constant 0 : i32
    %broadcast_in_dim3A_57 = vector.broadcast %broadcast_in_dim3A_56 : i32 to vector<16xi32>
    %broadcast_in_dim3A_58 = arith.constant 0.000000e+00 : f32
    %broadcast_in_dim3A_59 = vector.broadcast %broadcast_in_dim3A_58 : f32 to vector<16xf32>
    %scan3A = arith.constant 0 : i32
    %scan3A_60 = arith.constant 0 : i32
    %scan3A_61 = arith.constant 16 : i32
    %scan3A_62 = arith.addi %scan3A_60, %scan3A_61 : i32
    %scan3A_63 = arith.constant 1 : i32
    scf.for %scan3A_276 = %scan3A_60 to %scan3A_62 step %scan3A_63  : i32 {
      %swap3A_277 = arith.index_cast %scan3A_276 : i32 to index
      %swap3A_278 = arith.constant 0 : index
      %swap3A_279 = tpu.vector_load %arg5[%swap3A_277, %swap3A_278] {strides = array<i32>} : memref<16x16xi32, #tpu.memory_space<vmem>>, vector<16xi32>,
      tpu.vector_store %arg5[%swap3A_277, %swap3A_278], %broadcast_in_dim3A_57 {strides = array<i32>} : memref<16x16xi32, #tpu.memory_space<vmem>>, vector<16xi32>,
    }
    %scan3A_64 = arith.constant 16 : i32
    %eq3A_65 = arith.constant 0 : i32
    %eq3A_66 = arith.cmpi eq, %arg1, %eq3A_65 : i32
    %convert_element_type3A = arith.extui %eq3A_66 : i1 to i32
    %cond3A = arith.constant 0 : i32
    %cond3A_67 = arith.cmpi ne, %convert_element_type3A, %cond3A : i32
    scf.if %cond3A_67 {
      "tpu.region"() ({
        %run_scoped3A_276 = tpu.sem_alloc : memref<!tpu.dma_semaphore, #tpu.memory_space<semaphore_mem>>
        %dma_start3A = arith.constant 0 : i32
        %dma_start3A_277 = arith.constant 0 : i32
        %dma_start3A_278 = tpu.memref_slice %arg11[%dma_start3A, %dma_start3A_277] : memref<128x16xi32, #tpu.memory_space<vmem_shared>> -> memref<16x16xi32, #tpu.memory_space<vmem_shared>>
        %dma_start3A_279 = arith.constant 0 : i32
        %dma_start3A_280 = arith.constant 0 : i32
        %dma_start3A_281 = tpu.memref_slice %arg11[%dma_start3A_279, %dma_start3A_280] : memref<128x16xi32, #tpu.memory_space<vmem_shared>> -> memref<16x16xi32, #tpu.memory_space<vmem_shared>>
        tpu.enqueue_dma source(%arg5 : memref<16x16xi32, #tpu.memory_space<vmem>>) target(%dma_start3A_281 : memref<16x16xi32, #tpu.memory_space<vmem_shared>>) target_semaphore(%run_scoped3A_276 : memref<!tpu.dma_semaphore, #tpu.memory_space<semaphore_mem>>)
        %dma_wait3A = arith.constant 0 : i32
        %dma_wait3A_282 = arith.constant 0 : i32
        %dma_wait3A_283 = tpu.memref_slice %arg11[%dma_wait3A, %dma_wait3A_282] : memref<128x16xi32, #tpu.memory_space<vmem_shared>> -> memref<16x16xi32, #tpu.memory_space<vmem_shared>>
        %dma_wait3A_284 = arith.constant 0 : i32
        %dma_wait3A_285 = arith.constant 0 : i32
        %dma_wait3A_286 = tpu.memref_slice %arg11[%dma_wait3A_284, %dma_wait3A_285] : memref<128x16xi32, #tpu.memory_space<vmem_shared>> -> memref<16x16xi32, #tpu.memory_space<vmem_shared>>
        tpu.wait_dma2 semaphore(%run_scoped3A_276 : memref<!tpu.dma_semaphore, #tpu.memory_space<semaphore_mem>>) src(%arg5 : memref<16x16xi32, #tpu.memory_space<vmem>>) dst(%dma_wait3A_286 : memref<16x16xi32, #tpu.memory_space<vmem_shared>>)
        tpu.yield
      }) : () -> ()
      "tpu.region"() ({
        %run_scoped3A_276 = tpu.sem_alloc : memref<!tpu.dma_semaphore, #tpu.memory_space<semaphore_mem>>
        %dma_start3A = arith.constant 16 : i32
        %dma_start3A_277 = arith.constant 0 : i32
        %dma_start3A_278 = tpu.memref_slice %arg11[%dma_start3A, %dma_start3A_277] : memref<128x16xi32, #tpu.memory_space<vmem_shared>> -> memref<16x16xi32, #tpu.memory_space<vmem_shared>>
        %dma_start3A_279 = arith.constant 16 : i32
        %dma_start3A_280 = arith.constant 0 : i32
        %dma_start3A_281 = tpu.memref_slice %arg11[%dma_start3A_279, %dma_start3A_280] : memref<128x16xi32, #tpu.memory_space<vmem_shared>> -> memref<16x16xi32, #tpu.memory_space<vmem_shared>>
        tpu.enqueue_dma source(%arg5 : memref<16x16xi32, #tpu.memory_space<vmem>>) target(%dma_start3A_281 : memref<16x16xi32, #tpu.memory_space<vmem_shared>>) target_semaphore(%run_scoped3A_276 : memref<!tpu.dma_semaphore, #tpu.memory_space<semaphore_mem>>)
        %dma_wait3A = arith.constant 16 : i32
        %dma_wait3A_282 = arith.constant 0 : i32
        %dma_wait3A_283 = tpu.memref_slice %arg11[%dma_wait3A, %dma_wait3A_282] : memref<128x16xi32, #tpu.memory_space<vmem_shared>> -> memref<16x16xi32, #tpu.memory_space<vmem_shared>>
        %dma_wait3A_284 = arith.constant 16 : i32
        %dma_wait3A_285 = arith.constant 0 : i32
        %dma_wait3A_286 = tpu.memref_slice %arg11[%dma_wait3A_284, %dma_wait3A_285] : memref<128x16xi32, #tpu.memory_space<vmem_shared>> -> memref<16x16xi32, #tpu.memory_space<vmem_shared>>
        tpu.wait_dma2 semaphore(%run_scoped3A_276 : memref<!tpu.dma_semaphore, #tpu.memory_space<semaphore_mem>>) src(%arg5 : memref<16x16xi32, #tpu.memory_space<vmem>>) dst(%dma_wait3A_286 : memref<16x16xi32, #tpu.memory_space<vmem_shared>>)
        tpu.yield
      }) : () -> ()
      "tpu.region"() ({
        %run_scoped3A_276 = tpu.sem_alloc : memref<!tpu.dma_semaphore, #tpu.memory_space<semaphore_mem>>
        %dma_start3A = arith.constant 32 : i32
        %dma_start3A_277 = arith.constant 0 : i32
        %dma_start3A_278 = tpu.memref_slice %arg11[%dma_start3A, %dma_start3A_277] : memref<128x16xi32, #tpu.memory_space<vmem_shared>> -> memref<16x16xi32, #tpu.memory_space<vmem_shared>>
        %dma_start3A_279 = arith.constant 32 : i32
        %dma_start3A_280 = arith.constant 0 : i32
        %dma_start3A_281 = tpu.memref_slice %arg11[%dma_start3A_279, %dma_start3A_280] : memref<128x16xi32, #tpu.memory_space<vmem_shared>> -> memref<16x16xi32, #tpu.memory_space<vmem_shared>>
        tpu.enqueue_dma source(%arg5 : memref<16x16xi32, #tpu.memory_space<vmem>>) target(%dma_start3A_281 : memref<16x16xi32, #tpu.memory_space<vmem_shared>>) target_semaphore(%run_scoped3A_276 : memref<!tpu.dma_semaphore, #tpu.memory_space<semaphore_mem>>)
        %dma_wait3A = arith.constant 32 : i32
        %dma_wait3A_282 = arith.constant 0 : i32
        %dma_wait3A_283 = tpu.memref_slice %arg11[%dma_wait3A, %dma_wait3A_282] : memref<128x16xi32, #tpu.memory_space<vmem_shared>> -> memref<16x16xi32, #tpu.memory_space<vmem_shared>>
        %dma_wait3A_284 = arith.constant 32 : i32
        %dma_wait3A_285 = arith.constant 0 : i32
        %dma_wait3A_286 = tpu.memref_slice %arg11[%dma_wait3A_284, %dma_wait3A_285] : memref<128x16xi32, #tpu.memory_space<vmem_shared>> -> memref<16x16xi32, #tpu.memory_space<vmem_shared>>
        tpu.wait_dma2 semaphore(%run_scoped3A_276 : memref<!tpu.dma_semaphore, #tpu.memory_space<semaphore_mem>>) src(%arg5 : memref<16x16xi32, #tpu.memory_space<vmem>>) dst(%dma_wait3A_286 : memref<16x16xi32, #tpu.memory_space<vmem_shared>>)
        tpu.yield
      }) : () -> ()
      "tpu.region"() ({
        %run_scoped3A_276 = tpu.sem_alloc : memref<!tpu.dma_semaphore, #tpu.memory_space<semaphore_mem>>
        %dma_start3A = arith.constant 48 : i32
        %dma_start3A_277 = arith.constant 0 : i32
        %dma_start3A_278 = tpu.memref_slice %arg11[%dma_start3A, %dma_start3A_277] : memref<128x16xi32, #tpu.memory_space<vmem_shared>> -> memref<16x16xi32, #tpu.memory_space<vmem_shared>>
        %dma_start3A_279 = arith.constant 48 : i32
        %dma_start3A_280 = arith.constant 0 : i32
        %dma_start3A_281 = tpu.memref_slice %arg11[%dma_start3A_279, %dma_start3A_280] : memref<128x16xi32, #tpu.memory_space<vmem_shared>> -> memref<16x16xi32, #tpu.memory_space<vmem_shared>>
        tpu.enqueue_dma source(%arg5 : memref<16x16xi32, #tpu.memory_space<vmem>>) target(%dma_start3A_281 : memref<16x16xi32, #tpu.memory_space<vmem_shared>>) target_semaphore(%run_scoped3A_276 : memref<!tpu.dma_semaphore, #tpu.memory_space<semaphore_mem>>)
        %dma_wait3A = arith.constant 48 : i32
        %dma_wait3A_282 = arith.constant 0 : i32
        %dma_wait3A_283 = tpu.memref_slice %arg11[%dma_wait3A, %dma_wait3A_282] : memref<128x16xi32, #tpu.memory_space<vmem_shared>> -> memref<16x16xi32, #tpu.memory_space<vmem_shared>>
        %dma_wait3A_284 = arith.constant 48 : i32
        %dma_wait3A_285 = arith.constant 0 : i32
        %dma_wait3A_286 = tpu.memref_slice %arg11[%dma_wait3A_284, %dma_wait3A_285] : memref<128x16xi32, #tpu.memory_space<vmem_shared>> -> memref<16x16xi32, #tpu.memory_space<vmem_shared>>
        tpu.wait_dma2 semaphore(%run_scoped3A_276 : memref<!tpu.dma_semaphore, #tpu.memory_space<semaphore_mem>>) src(%arg5 : memref<16x16xi32, #tpu.memory_space<vmem>>) dst(%dma_wait3A_286 : memref<16x16xi32, #tpu.memory_space<vmem_shared>>)
        tpu.yield
      }) : () -> ()
      "tpu.region"() ({
        %run_scoped3A_276 = tpu.sem_alloc : memref<!tpu.dma_semaphore, #tpu.memory_space<semaphore_mem>>
        %dma_start3A = arith.constant 64 : i32
        %dma_start3A_277 = arith.constant 0 : i32
        %dma_start3A_278 = tpu.memref_slice %arg11[%dma_start3A, %dma_start3A_277] : memref<128x16xi32, #tpu.memory_space<vmem_shared>> -> memref<16x16xi32, #tpu.memory_space<vmem_shared>>
        %dma_start3A_279 = arith.constant 64 : i32
        %dma_start3A_280 = arith.constant 0 : i32
        %dma_start3A_281 = tpu.memref_slice %arg11[%dma_start3A_279, %dma_start3A_280] : memref<128x16xi32, #tpu.memory_space<vmem_shared>> -> memref<16x16xi32, #tpu.memory_space<vmem_shared>>
        tpu.enqueue_dma source(%arg5 : memref<16x16xi32, #tpu.memory_space<vmem>>) target(%dma_start3A_281 : memref<16x16xi32, #tpu.memory_space<vmem_shared>>) target_semaphore(%run_scoped3A_276 : memref<!tpu.dma_semaphore, #tpu.memory_space<semaphore_mem>>)
        %dma_wait3A = arith.constant 64 : i32
        %dma_wait3A_282 = arith.constant 0 : i32
        %dma_wait3A_283 = tpu.memref_slice %arg11[%dma_wait3A, %dma_wait3A_282] : memref<128x16xi32, #tpu.memory_space<vmem_shared>> -> memref<16x16xi32, #tpu.memory_space<vmem_shared>>
        %dma_wait3A_284 = arith.constant 64 : i32
        %dma_wait3A_285 = arith.constant 0 : i32
        %dma_wait3A_286 = tpu.memref_slice %arg11[%dma_wait3A_284, %dma_wait3A_285] : memref<128x16xi32, #tpu.memory_space<vmem_shared>> -> memref<16x16xi32, #tpu.memory_space<vmem_shared>>
        tpu.wait_dma2 semaphore(%run_scoped3A_276 : memref<!tpu.dma_semaphore, #tpu.memory_space<semaphore_mem>>) src(%arg5 : memref<16x16xi32, #tpu.memory_space<vmem>>) dst(%dma_wait3A_286 : memref<16x16xi32, #tpu.memory_space<vmem_shared>>)
        tpu.yield
      }) : () -> ()
      "tpu.region"() ({
        %run_scoped3A_276 = tpu.sem_alloc : memref<!tpu.dma_semaphore, #tpu.memory_space<semaphore_mem>>
        %dma_start3A = arith.constant 80 : i32
        %dma_start3A_277 = arith.constant 0 : i32
        %dma_start3A_278 = tpu.memref_slice %arg11[%dma_start3A, %dma_start3A_277] : memref<128x16xi32, #tpu.memory_space<vmem_shared>> -> memref<16x16xi32, #tpu.memory_space<vmem_shared>>
        %dma_start3A_279 = arith.constant 80 : i32
        %dma_start3A_280 = arith.constant 0 : i32
        %dma_start3A_281 = tpu.memref_slice %arg11[%dma_start3A_279, %dma_start3A_280] : memref<128x16xi32, #tpu.memory_space<vmem_shared>> -> memref<16x16xi32, #tpu.memory_space<vmem_shared>>
        tpu.enqueue_dma source(%arg5 : memref<16x16xi32, #tpu.memory_space<vmem>>) target(%dma_start3A_281 : memref<16x16xi32, #tpu.memory_space<vmem_shared>>) target_semaphore(%run_scoped3A_276 : memref<!tpu.dma_semaphore, #tpu.memory_space<semaphore_mem>>)
        %dma_wait3A = arith.constant 80 : i32
        %dma_wait3A_282 = arith.constant 0 : i32
        %dma_wait3A_283 = tpu.memref_slice %arg11[%dma_wait3A, %dma_wait3A_282] : memref<128x16xi32, #tpu.memory_space<vmem_shared>> -> memref<16x16xi32, #tpu.memory_space<vmem_shared>>
        %dma_wait3A_284 = arith.constant 80 : i32
        %dma_wait3A_285 = arith.constant 0 : i32
        %dma_wait3A_286 = tpu.memref_slice %arg11[%dma_wait3A_284, %dma_wait3A_285] : memref<128x16xi32, #tpu.memory_space<vmem_shared>> -> memref<16x16xi32, #tpu.memory_space<vmem_shared>>
        tpu.wait_dma2 semaphore(%run_scoped3A_276 : memref<!tpu.dma_semaphore, #tpu.memory_space<semaphore_mem>>) src(%arg5 : memref<16x16xi32, #tpu.memory_space<vmem>>) dst(%dma_wait3A_286 : memref<16x16xi32, #tpu.memory_space<vmem_shared>>)
        tpu.yield
      }) : () -> ()
      "tpu.region"() ({
        %run_scoped3A_276 = tpu.sem_alloc : memref<!tpu.dma_semaphore, #tpu.memory_space<semaphore_mem>>
        %dma_start3A = arith.constant 96 : i32
        %dma_start3A_277 = arith.constant 0 : i32
        %dma_start3A_278 = tpu.memref_slice %arg11[%dma_start3A, %dma_start3A_277] : memref<128x16xi32, #tpu.memory_space<vmem_shared>> -> memref<16x16xi32, #tpu.memory_space<vmem_shared>>
        %dma_start3A_279 = arith.constant 96 : i32
        %dma_start3A_280 = arith.constant 0 : i32
        %dma_start3A_281 = tpu.memref_slice %arg11[%dma_start3A_279, %dma_start3A_280] : memref<128x16xi32, #tpu.memory_space<vmem_shared>> -> memref<16x16xi32, #tpu.memory_space<vmem_shared>>
        tpu.enqueue_dma source(%arg5 : memref<16x16xi32, #tpu.memory_space<vmem>>) target(%dma_start3A_281 : memref<16x16xi32, #tpu.memory_space<vmem_shared>>) target_semaphore(%run_scoped3A_276 : memref<!tpu.dma_semaphore, #tpu.memory_space<semaphore_mem>>)
        %dma_wait3A = arith.constant 96 : i32
        %dma_wait3A_282 = arith.constant 0 : i32
        %dma_wait3A_283 = tpu.memref_slice %arg11[%dma_wait3A, %dma_wait3A_282] : memref<128x16xi32, #tpu.memory_space<vmem_shared>> -> memref<16x16xi32, #tpu.memory_space<vmem_shared>>
        %dma_wait3A_284 = arith.constant 96 : i32
        %dma_wait3A_285 = arith.constant 0 : i32
        %dma_wait3A_286 = tpu.memref_slice %arg11[%dma_wait3A_284, %dma_wait3A_285] : memref<128x16xi32, #tpu.memory_space<vmem_shared>> -> memref<16x16xi32, #tpu.memory_space<vmem_shared>>
        tpu.wait_dma2 semaphore(%run_scoped3A_276 : memref<!tpu.dma_semaphore, #tpu.memory_space<semaphore_mem>>) src(%arg5 : memref<16x16xi32, #tpu.memory_space<vmem>>) dst(%dma_wait3A_286 : memref<16x16xi32, #tpu.memory_space<vmem_shared>>)
        tpu.yield
      }) : () -> ()
      "tpu.region"() ({
        %run_scoped3A_276 = tpu.sem_alloc : memref<!tpu.dma_semaphore, #tpu.memory_space<semaphore_mem>>
        %dma_start3A = arith.constant 112 : i32
        %dma_start3A_277 = arith.constant 0 : i32
        %dma_start3A_278 = tpu.memref_slice %arg11[%dma_start3A, %dma_start3A_277] : memref<128x16xi32, #tpu.memory_space<vmem_shared>> -> memref<16x16xi32, #tpu.memory_space<vmem_shared>>
        %dma_start3A_279 = arith.constant 112 : i32
        %dma_start3A_280 = arith.constant 0 : i32
        %dma_start3A_281 = tpu.memref_slice %arg11[%dma_start3A_279, %dma_start3A_280] : memref<128x16xi32, #tpu.memory_space<vmem_shared>> -> memref<16x16xi32, #tpu.memory_space<vmem_shared>>
        tpu.enqueue_dma source(%arg5 : memref<16x16xi32, #tpu.memory_space<vmem>>) target(%dma_start3A_281 : memref<16x16xi32, #tpu.memory_space<vmem_shared>>) target_semaphore(%run_scoped3A_276 : memref<!tpu.dma_semaphore, #tpu.memory_space<semaphore_mem>>)
        %dma_wait3A = arith.constant 112 : i32
        %dma_wait3A_282 = arith.constant 0 : i32
        %dma_wait3A_283 = tpu.memref_slice %arg11[%dma_wait3A, %dma_wait3A_282] : memref<128x16xi32, #tpu.memory_space<vmem_shared>> -> memref<16x16xi32, #tpu.memory_space<vmem_shared>>
        %dma_wait3A_284 = arith.constant 112 : i32
        %dma_wait3A_285 = arith.constant 0 : i32
        %dma_wait3A_286 = tpu.memref_slice %arg11[%dma_wait3A_284, %dma_wait3A_285] : memref<128x16xi32, #tpu.memory_space<vmem_shared>> -> memref<16x16xi32, #tpu.memory_space<vmem_shared>>
        tpu.wait_dma2 semaphore(%run_scoped3A_276 : memref<!tpu.dma_semaphore, #tpu.memory_space<semaphore_mem>>) src(%arg5 : memref<16x16xi32, #tpu.memory_space<vmem>>) dst(%dma_wait3A_286 : memref<16x16xi32, #tpu.memory_space<vmem_shared>>)
        tpu.yield
      }) : () -> ()
    } else {
    }
    %barrier3A = arith.constant 0 : index
    tpu.barrier barrier_id(%barrier3A)
    %mul3A_68 = arith.constant 1024 : i32
    %mul3A_69 = arith.muli %select_n3A_54, %mul3A_68 : i32
    %run_scoped3A = arith.constant 0 : i32
    "tpu.region"() ({
      %run_scoped3A_276 = tpu.sem_alloc : memref<!tpu.dma_semaphore, #tpu.memory_space<semaphore_mem>>
      %dma_start3A = tpu.memref_slice %arg2[%add3A, %run_scoped3A, %mul3A_69] : memref<4x1x8192xf32, #tpu.memory_space<hbm>> -> memref<1x1x1024xf32, #tpu.memory_space<hbm>>
      %dma_start3A_277 = tpu.memref_squeeze %dma_start3A : memref<1x1x1024xf32, #tpu.memory_space<hbm>> -> memref<1024xf32, #tpu.memory_space<hbm>>
      %dma_start3A_278 = tpu.memref_slice %arg2[%add3A, %run_scoped3A, %mul3A_69] : memref<4x1x8192xf32, #tpu.memory_space<hbm>> -> memref<1x1x1024xf32, #tpu.memory_space<hbm>>
      %dma_start3A_279 = tpu.memref_squeeze %dma_start3A_278 : memref<1x1x1024xf32, #tpu.memory_space<hbm>> -> memref<1024xf32, #tpu.memory_space<hbm>>
      tpu.enqueue_dma source(%dma_start3A_279 : memref<1024xf32, #tpu.memory_space<hbm>>) target(%arg4 : memref<1024xf32, #tpu.memory_space<vmem>>) target_semaphore(%run_scoped3A_276 : memref<!tpu.dma_semaphore, #tpu.memory_space<semaphore_mem>>)
      %dma_wait3A = tpu.memref_slice %arg2[%add3A, %run_scoped3A, %mul3A_69] : memref<4x1x8192xf32, #tpu.memory_space<hbm>> -> memref<1x1x1024xf32, #tpu.memory_space<hbm>>
      %dma_wait3A_280 = tpu.memref_squeeze %dma_wait3A : memref<1x1x1024xf32, #tpu.memory_space<hbm>> -> memref<1024xf32, #tpu.memory_space<hbm>>
      %dma_wait3A_281 = tpu.memref_slice %arg2[%add3A, %run_scoped3A, %mul3A_69] : memref<4x1x8192xf32, #tpu.memory_space<hbm>> -> memref<1x1x1024xf32, #tpu.memory_space<hbm>>
      %dma_wait3A_282 = tpu.memref_squeeze %dma_wait3A_281 : memref<1x1x1024xf32, #tpu.memory_space<hbm>> -> memref<1024xf32, #tpu.memory_space<hbm>>
      tpu.wait_dma2 semaphore(%run_scoped3A_276 : memref<!tpu.dma_semaphore, #tpu.memory_space<semaphore_mem>>) src(%dma_wait3A_282 : memref<1024xf32, #tpu.memory_space<hbm>>) dst(%arg4 : memref<1024xf32, #tpu.memory_space<vmem>>)
      tpu.yield
    }) : () -> ()
    %broadcast_in_dim3A_70 = arith.constant 0xFF800000 : f32
    %broadcast_in_dim3A_71 = vector.broadcast %broadcast_in_dim3A_70 : f32 to vector<16xf32>
    %scan3A_72 = arith.constant 0 : i32
    %scan3A_73 = arith.constant 64 : i32
    %scan3A_74 = arith.addi %scan3A_72, %scan3A_73 : i32
    %scan3A_75 = arith.constant 1 : i32
    %scan3A_76 = scf.for %scan3A_276 = %scan3A_72 to %scan3A_74 step %scan3A_75 iter_args(%scan3A_277 = %broadcast_in_dim3A_71) -> (vector<16xf32>)  : i32 {
      %mul3A_278 = arith.constant 16 : i32
      %mul3A_279 = arith.muli %scan3A_276, %mul3A_278 : i32
      %get3A = arith.index_cast %mul3A_279 : i32 to index
      %get3A_280 = tpu.vector_load %arg4[%get3A] {strides = array<i32>} : memref<1024xf32, #tpu.memory_space<vmem>>, vector<16xf32>,
      %max3A = arith.maximumf %scan3A_277, %get3A_280 : vector<16xf32>
      scf.yield %max3A : vector<16xf32>
    }
    %scan3A_77 = arith.constant 64 : i32
    %reduce_max3A = arith.constant true
    %reduce_max3A_78 = vector.broadcast %reduce_max3A : i1 to vector<16xi1>
    %reduce_max3A_79 = tpu.scan <max>, %scan3A_76 masked %reduce_max3A_78 : vector<16xf32>, vector<16xi1> -> vector<16xf32>
    %reduce_max3A_80 = vector.extract %reduce_max3A_79[15] : f32 from vector<16xf32>
    %broadcast_in_dim3A_81 = vector.broadcast %reduce_max3A_80 : f32 to vector<16xf32>
    %swap3A = arith.constant 0 : index
    %swap3A_82 = tpu.vector_load %arg8[%swap3A] {strides = array<i32>} : memref<16xf32, #tpu.memory_space<vmem>>, vector<16xf32>,
    tpu.vector_store %arg8[%swap3A], %broadcast_in_dim3A_81 {strides = array<i32>} : memref<16xf32, #tpu.memory_space<vmem>>, vector<16xf32>,
    %run_scoped3A_83 = arith.constant 0 : i32
    "tpu.region"() ({
      %run_scoped3A_276 = tpu.sem_alloc : memref<!tpu.dma_semaphore, #tpu.memory_space<semaphore_mem>>
      %dma_start3A = arith.constant 0 : i32
      %dma_start3A_277 = tpu.memref_slice %arg12[%run_scoped3A_83, %select_n3A_40, %select_n3A_54, %dma_start3A] : memref<2x2x8x16xf32, #tpu.memory_space<vmem_shared>> -> memref<1x1x1x16xf32, #tpu.memory_space<vmem_shared>>
      %dma_start3A_278 = tpu.memref_squeeze %dma_start3A_277 : memref<1x1x1x16xf32, #tpu.memory_space<vmem_shared>> -> memref<16xf32, #tpu.memory_space<vmem_shared>>
      %dma_start3A_279 = arith.constant 0 : i32
      %dma_start3A_280 = tpu.memref_slice %arg12[%run_scoped3A_83, %select_n3A_40, %select_n3A_54, %dma_start3A_279] : memref<2x2x8x16xf32, #tpu.memory_space<vmem_shared>> -> memref<1x1x1x16xf32, #tpu.memory_space<vmem_shared>>
      %dma_start3A_281 = tpu.memref_squeeze %dma_start3A_280 : memref<1x1x1x16xf32, #tpu.memory_space<vmem_shared>> -> memref<16xf32, #tpu.memory_space<vmem_shared>>
      tpu.enqueue_dma source(%arg8 : memref<16xf32, #tpu.memory_space<vmem>>) target(%dma_start3A_281 : memref<16xf32, #tpu.memory_space<vmem_shared>>) target_semaphore(%run_scoped3A_276 : memref<!tpu.dma_semaphore, #tpu.memory_space<semaphore_mem>>)
      %dma_wait3A = arith.constant 0 : i32
      %dma_wait3A_282 = tpu.memref_slice %arg12[%run_scoped3A_83, %select_n3A_40, %select_n3A_54, %dma_wait3A] : memref<2x2x8x16xf32, #tpu.memory_space<vmem_shared>> -> memref<1x1x1x16xf32, #tpu.memory_space<vmem_shared>>
      %dma_wait3A_283 = tpu.memref_squeeze %dma_wait3A_282 : memref<1x1x1x16xf32, #tpu.memory_space<vmem_shared>> -> memref<16xf32, #tpu.memory_space<vmem_shared>>
      %dma_wait3A_284 = arith.constant 0 : i32
      %dma_wait3A_285 = tpu.memref_slice %arg12[%run_scoped3A_83, %select_n3A_40, %select_n3A_54, %dma_wait3A_284] : memref<2x2x8x16xf32, #tpu.memory_space<vmem_shared>> -> memref<1x1x1x16xf32, #tpu.memory_space<vmem_shared>>
      %dma_wait3A_286 = tpu.memref_squeeze %dma_wait3A_285 : memref<1x1x1x16xf32, #tpu.memory_space<vmem_shared>> -> memref<16xf32, #tpu.memory_space<vmem_shared>>
      tpu.wait_dma2 semaphore(%run_scoped3A_276 : memref<!tpu.dma_semaphore, #tpu.memory_space<semaphore_mem>>) src(%arg8 : memref<16xf32, #tpu.memory_space<vmem>>) dst(%dma_wait3A_286 : memref<16xf32, #tpu.memory_space<vmem_shared>>)
      tpu.yield
    }) : () -> ()
    %barrier3A_84 = arith.constant 0 : index
    tpu.barrier barrier_id(%barrier3A_84)
    %run_scoped3A_85 = arith.constant 0 : i32
    "tpu.region"() ({
      %run_scoped3A_276 = tpu.sem_alloc : memref<!tpu.dma_semaphore, #tpu.memory_space<semaphore_mem>>
      %dma_start3A = arith.constant 0 : i32
      %dma_start3A_277 = arith.constant 0 : i32
      %dma_start3A_278 = tpu.memref_slice %arg12[%run_scoped3A_85, %select_n3A_40, %dma_start3A, %dma_start3A_277] : memref<2x2x8x16xf32, #tpu.memory_space<vmem_shared>> -> memref<1x1x8x16xf32, #tpu.memory_space<vmem_shared>>
      %dma_start3A_279 = tpu.memref_squeeze %dma_start3A_278 : memref<1x1x8x16xf32, #tpu.memory_space<vmem_shared>> -> memref<8x16xf32, #tpu.memory_space<vmem_shared>>
      %dma_start3A_280 = arith.constant 0 : i32
      %dma_start3A_281 = arith.constant 0 : i32
      %dma_start3A_282 = tpu.memref_slice %arg12[%run_scoped3A_85, %select_n3A_40, %dma_start3A_280, %dma_start3A_281] : memref<2x2x8x16xf32, #tpu.memory_space<vmem_shared>> -> memref<1x1x8x16xf32, #tpu.memory_space<vmem_shared>>
      %dma_start3A_283 = tpu.memref_squeeze %dma_start3A_282 : memref<1x1x8x16xf32, #tpu.memory_space<vmem_shared>> -> memref<8x16xf32, #tpu.memory_space<vmem_shared>>
      tpu.enqueue_dma source(%dma_start3A_283 : memref<8x16xf32, #tpu.memory_space<vmem_shared>>) target(%arg9 : memref<8x16xf32, #tpu.memory_space<vmem>>) target_semaphore(%run_scoped3A_276 : memref<!tpu.dma_semaphore, #tpu.memory_space<semaphore_mem>>)
      %dma_wait3A = arith.constant 0 : i32
      %dma_wait3A_284 = arith.constant 0 : i32
      %dma_wait3A_285 = tpu.memref_slice %arg12[%run_scoped3A_85, %select_n3A_40, %dma_wait3A, %dma_wait3A_284] : memref<2x2x8x16xf32, #tpu.memory_space<vmem_shared>> -> memref<1x1x8x16xf32, #tpu.memory_space<vmem_shared>>
      %dma_wait3A_286 = tpu.memref_squeeze %dma_wait3A_285 : memref<1x1x8x16xf32, #tpu.memory_space<vmem_shared>> -> memref<8x16xf32, #tpu.memory_space<vmem_shared>>
      %dma_wait3A_287 = arith.constant 0 : i32
      %dma_wait3A_288 = arith.constant 0 : i32
      %dma_wait3A_289 = tpu.memref_slice %arg12[%run_scoped3A_85, %select_n3A_40, %dma_wait3A_287, %dma_wait3A_288] : memref<2x2x8x16xf32, #tpu.memory_space<vmem_shared>> -> memref<1x1x8x16xf32, #tpu.memory_space<vmem_shared>>
      %dma_wait3A_290 = tpu.memref_squeeze %dma_wait3A_289 : memref<1x1x8x16xf32, #tpu.memory_space<vmem_shared>> -> memref<8x16xf32, #tpu.memory_space<vmem_shared>>
      tpu.wait_dma2 semaphore(%run_scoped3A_276 : memref<!tpu.dma_semaphore, #tpu.memory_space<semaphore_mem>>) src(%dma_wait3A_290 : memref<8x16xf32, #tpu.memory_space<vmem_shared>>) dst(%arg9 : memref<8x16xf32, #tpu.memory_space<vmem>>)
      tpu.yield
    }) : () -> ()
    %broadcast_in_dim3A_86 = arith.constant 0xFF800000 : f32
    %broadcast_in_dim3A_87 = vector.broadcast %broadcast_in_dim3A_86 : f32 to vector<16xf32>
    %scan3A_88 = arith.constant 0 : i32
    %scan3A_89 = arith.constant 8 : i32
    %scan3A_90 = arith.addi %scan3A_88, %scan3A_89 : i32
    %scan3A_91 = arith.constant 1 : i32
    %scan3A_92 = scf.for %scan3A_276 = %scan3A_88 to %scan3A_90 step %scan3A_91 iter_args(%scan3A_277 = %broadcast_in_dim3A_87) -> (vector<16xf32>)  : i32 {
      %get3A = arith.index_cast %scan3A_276 : i32 to index
      %get3A_278 = arith.constant 0 : index
      %get3A_279 = tpu.vector_load %arg9[%get3A, %get3A_278] {strides = array<i32>} : memref<8x16xf32, #tpu.memory_space<vmem>>, vector<16xf32>,
      %max3A = arith.maximumf %scan3A_277, %get3A_279 : vector<16xf32>
      scf.yield %max3A : vector<16xf32>
    }
    %scan3A_93 = arith.constant 8 : i32
    %reduce_max3A_94 = arith.constant true
    %reduce_max3A_95 = vector.broadcast %reduce_max3A_94 : i1 to vector<16xi1>
    %reduce_max3A_96 = tpu.scan <max>, %scan3A_92 masked %reduce_max3A_95 : vector<16xf32>, vector<16xi1> -> vector<16xf32>
    %reduce_max3A_97 = vector.extract %reduce_max3A_96[15] : f32 from vector<16xf32>
    %scan3A_98 = arith.constant 0 : i32
    %scan3A_99 = arith.constant 0 : i32
    %scan3A_100 = arith.constant 64 : i32
    %scan3A_101 = arith.addi %scan3A_99, %scan3A_100 : i32
    %scan3A_102 = arith.constant 1 : i32
    scf.for %scan3A_276 = %scan3A_99 to %scan3A_101 step %scan3A_102  : i32 {
      %mul3A_277 = arith.constant 16 : i32
      %mul3A_278 = arith.muli %scan3A_276, %mul3A_277 : i32
      %get3A = arith.index_cast %mul3A_278 : i32 to index
      %get3A_279 = tpu.vector_load %arg4[%get3A] {strides = array<i32>} : memref<1024xf32, #tpu.memory_space<vmem>>, vector<16xf32>,
      %bitcast_convert_type3A = tpu.bitcast %get3A_279 : vector<16xf32> -> vector<16xi32>
      %ge3A = arith.constant 0 : i32
      %ge3A_280 = vector.broadcast %ge3A : i32 to vector<16xi32>
      %ge3A_281 = arith.cmpi sge, %bitcast_convert_type3A, %ge3A_280 : vector<16xi32>
      %xor3A_282 = arith.constant 2147483647 : i32
      %xor3A_283 = vector.broadcast %xor3A_282 : i32 to vector<16xi32>
      %xor3A_284 = arith.xori %bitcast_convert_type3A, %xor3A_283 : vector<16xi32>
      %select_n3A_285 = arith.select %ge3A_281, %bitcast_convert_type3A, %xor3A_284 : vector<16xi1>, vector<16xi32>
      %xor3A_286 = arith.constant -2147483648 : i32
      %xor3A_287 = vector.broadcast %xor3A_286 : i32 to vector<16xi32>
      %xor3A_288 = arith.xori %select_n3A_285, %xor3A_287 : vector<16xi32>
      %shift_right_logical3A = arith.constant 24 : i32
      %shift_right_logical3A_289 = vector.broadcast %shift_right_logical3A : i32 to vector<16xi32>
      %shift_right_logical3A_290 = arith.shrui %xor3A_288, %shift_right_logical3A_289 : vector<16xi32>
      %and3A_291 = arith.constant 255 : i32
      %and3A_292 = vector.broadcast %and3A_291 : i32 to vector<16xi32>
      %and3A_293 = arith.andi %shift_right_logical3A_290, %and3A_292 : vector<16xi32>
      %shift_right_logical3A_294 = arith.constant 4 : i32
      %shift_right_logical3A_295 = vector.broadcast %shift_right_logical3A_294 : i32 to vector<16xi32>
      %shift_right_logical3A_296 = arith.shrui %and3A_293, %shift_right_logical3A_295 : vector<16xi32>
      %and3A_297 = arith.constant 15 : i32
      %and3A_298 = vector.broadcast %and3A_297 : i32 to vector<16xi32>
      %and3A_299 = arith.andi %and3A_293, %and3A_298 : vector<16xi32>
      tpu.vector_store_idx %arg5[%shift_right_logical3A_296, %and3A_299], %broadcast_in_dim3A_55 {add = true} : memref<16x16xi32, #tpu.memory_space<vmem>>[vector<16xi32>, vector<16xi32>], vector<16xi32>,
    }
    %scan3A_103 = arith.constant 64 : i32
    %add3A_104 = arith.constant 0 : i32
    %add3A_105 = arith.addi %add3A_104, %select_n3A_40 : i32
    %mul3A_106 = arith.constant 16 : i32
    %mul3A_107 = arith.muli %add3A_105, %mul3A_106 : i32
    %add3A_108 = vector.broadcast %mul3A_107 : i32 to vector<16xi32>
    %add3A_109 = arith.addi %add3A_108, %iota3A : vector<16xi32>
    %swap3A_110 = arith.constant 0 : index
    %swap3A_111 = tpu.vector_load %arg7[%swap3A_110] {strides = array<i32>} : memref<16xi32, #tpu.memory_space<vmem>>, vector<16xi32>,
    tpu.vector_store %arg7[%swap3A_110], %add3A_109 {strides = array<i32>} : memref<16xi32, #tpu.memory_space<vmem>>, vector<16xi32>,
    "tpu.region"() ({
      %run_scoped3A_276 = tpu.sem_alloc : memref<!tpu.dma_semaphore, #tpu.memory_space<semaphore_mem>>
      %dma_start3A = arith.constant 0 : i32
      %dma_start3A_277 = arith.constant 0 : i32
      %dma_start3A_278 = tpu.memref_slice %arg11[%dma_start3A, %dma_start3A_277] : memref<128x16xi32, #tpu.memory_space<vmem_shared>> -> memref<128x16xi32, #tpu.memory_space<vmem_shared>>
      tpu.enqueue_indirect_dma source(%arg5 : memref<16x16xi32, #tpu.memory_space<vmem>>) target(%dma_start3A_278 : memref<128x16xi32, #tpu.memory_space<vmem_shared>>) offsets(%arg7 : memref<16xi32, #tpu.memory_space<vmem>>) semaphore(%run_scoped3A_276 : memref<!tpu.dma_semaphore, #tpu.memory_space<semaphore_mem>>) {add = true}
      %dma_wait3A = arith.constant 0 : i32
      %dma_wait3A_279 = arith.constant 0 : i32
      %dma_wait3A_280 = tpu.memref_slice %arg11[%dma_wait3A, %dma_wait3A_279] : memref<128x16xi32, #tpu.memory_space<vmem_shared>> -> memref<128x16xi32, #tpu.memory_space<vmem_shared>>
      tpu.wait_indirect_dma semaphore(%run_scoped3A_276 : memref<!tpu.dma_semaphore, #tpu.memory_space<semaphore_mem>>) src(%arg5 : memref<16x16xi32, #tpu.memory_space<vmem>>) dst(%dma_wait3A_280 : memref<128x16xi32, #tpu.memory_space<vmem_shared>>)
      tpu.yield
    }) : () -> ()
    %barrier3A_112 = arith.constant 0 : index
    tpu.barrier barrier_id(%barrier3A_112)
    "tpu.region"() ({
      %run_scoped3A_276 = tpu.sem_alloc : memref<!tpu.dma_semaphore, #tpu.memory_space<semaphore_mem>>
      %dma_start3A = arith.constant 0 : i32
      %dma_start3A_277 = tpu.memref_slice %arg11[%mul3A_107, %dma_start3A] : memref<128x16xi32, #tpu.memory_space<vmem_shared>> -> memref<16x16xi32, #tpu.memory_space<vmem_shared>>
      %dma_start3A_278 = arith.constant 0 : i32
      %dma_start3A_279 = tpu.memref_slice %arg11[%mul3A_107, %dma_start3A_278] : memref<128x16xi32, #tpu.memory_space<vmem_shared>> -> memref<16x16xi32, #tpu.memory_space<vmem_shared>>
      tpu.enqueue_dma source(%dma_start3A_279 : memref<16x16xi32, #tpu.memory_space<vmem_shared>>) target(%arg6 : memref<16x16xi32, #tpu.memory_space<vmem>>) target_semaphore(%run_scoped3A_276 : memref<!tpu.dma_semaphore, #tpu.memory_space<semaphore_mem>>)
      %dma_wait3A = arith.constant 0 : i32
      %dma_wait3A_280 = tpu.memref_slice %arg11[%mul3A_107, %dma_wait3A] : memref<128x16xi32, #tpu.memory_space<vmem_shared>> -> memref<16x16xi32, #tpu.memory_space<vmem_shared>>
      %dma_wait3A_281 = arith.constant 0 : i32
      %dma_wait3A_282 = tpu.memref_slice %arg11[%mul3A_107, %dma_wait3A_281] : memref<128x16xi32, #tpu.memory_space<vmem_shared>> -> memref<16x16xi32, #tpu.memory_space<vmem_shared>>
      tpu.wait_dma2 semaphore(%run_scoped3A_276 : memref<!tpu.dma_semaphore, #tpu.memory_space<semaphore_mem>>) src(%dma_wait3A_282 : memref<16x16xi32, #tpu.memory_space<vmem_shared>>) dst(%arg6 : memref<16x16xi32, #tpu.memory_space<vmem>>)
      tpu.yield
    }) : () -> ()
    %sub3A_113 = arith.constant 6144 : i32
    %sub3A_114 = arith.constant 0 : i32
    %sub3A_115 = arith.subi %sub3A_113, %sub3A_114 : i32
    %scan3A_116 = arith.constant 0 : i32
    %scan3A_117 = arith.constant -1 : i32
    %scan3A_118 = arith.constant 0 : i32
    %scan3A_119 = arith.constant 16 : i32
    %scan3A_120 = arith.addi %scan3A_118, %scan3A_119 : i32
    %scan3A_121 = arith.constant 1 : i32
    %scan3A_122:2 = scf.for %scan3A_276 = %scan3A_118 to %scan3A_120 step %scan3A_121 iter_args(%scan3A_277 = %scan3A_116, %scan3A_278 = %scan3A_117) -> (i32, i32)  : i32 {
      %sub3A_279 = arith.constant 15 : i32
      %sub3A_280 = arith.subi %sub3A_279, %scan3A_276 : i32
      %get3A = arith.index_cast %sub3A_280 : i32 to index
      %get3A_281 = arith.constant 0 : index
      %get3A_282 = tpu.vector_load %arg6[%get3A, %get3A_281] {strides = array<i32>} : memref<16x16xi32, #tpu.memory_space<vmem>>, vector<16xi32>,
      %broadcast_in_dim3A_283 = arith.constant true
      %broadcast_in_dim3A_284 = vector.broadcast %broadcast_in_dim3A_283 : i1 to vector<16xi1>
      %masked_cumsum3A = tpu.scan <sum>, %get3A_282 masked %broadcast_in_dim3A_284 : vector<16xi32>, vector<16xi1> -> vector<16xi32>
      %reduce_sum3A_285 = arith.constant true
      %reduce_sum3A_286 = vector.broadcast %reduce_sum3A_285 : i1 to vector<16xi1>
      %reduce_sum3A_287 = tpu.scan <sum>, %get3A_282 masked %reduce_sum3A_286 : vector<16xi32>, vector<16xi1> -> vector<16xi32>
      %reduce_sum3A_288 = vector.extract %reduce_sum3A_287[15] : i32 from vector<16xi32>
      %add3A_289 = arith.addi %scan3A_277, %reduce_sum3A_288 : i32
      %sub3A_290 = vector.broadcast %add3A_289 : i32 to vector<16xi32>
      %sub3A_291 = arith.subi %sub3A_290, %masked_cumsum3A : vector<16xi32>
      %add3A_292 = arith.addi %sub3A_291, %get3A_282 : vector<16xi32>
      %ge3A = vector.broadcast %sub3A_115 : i32 to vector<16xi32>
      %ge3A_293 = arith.cmpi sge, %add3A_292, %ge3A : vector<16xi32>
      %mul3A_294 = arith.constant 16 : i32
      %mul3A_295 = arith.muli %sub3A_280, %mul3A_294 : i32
      %add3A_296 = vector.broadcast %mul3A_295 : i32 to vector<16xi32>
      %add3A_297 = arith.addi %iota3A, %add3A_296 : vector<16xi32>
      %jit3A_298 = arith.constant -1 : i32
      %broadcast_in_dim3A_299 = vector.broadcast %jit3A_298 : i32 to vector<16xi32>
      %select_n3A_300 = arith.select %ge3A_293, %add3A_297, %broadcast_in_dim3A_299 : vector<16xi1>, vector<16xi32>
      %reduce_max3A_301 = arith.constant true
      %reduce_max3A_302 = vector.broadcast %reduce_max3A_301 : i1 to vector<16xi1>
      %reduce_max3A_303 = arith.constant -2147483648 : i32
      %reduce_max3A_304 = vector.broadcast %reduce_max3A_303 : i32 to vector<16xi32>
      %reduce_max3A_305 = arith.xori %select_n3A_300, %reduce_max3A_304 : vector<16xi32>
      %reduce_max3A_306 = tpu.scan <max>, %reduce_max3A_305 masked %reduce_max3A_302 : vector<16xi32>, vector<16xi1> -> vector<16xi32>
      %reduce_max3A_307 = arith.xori %reduce_max3A_306, %reduce_max3A_304 : vector<16xi32>
      %reduce_max3A_308 = vector.extract %reduce_max3A_307[15] : i32 from vector<16xi32>
      %max3A = arith.maxsi %scan3A_278, %reduce_max3A_308 : i32
      %add3A_309 = arith.addi %scan3A_277, %reduce_sum3A_288 : i32
      scf.yield %add3A_309, %max3A : i32, i32
    }
    %scan3A_123 = arith.constant 16 : i32
    %scan3A_124 = arith.constant 0 : i32
    %scan3A_125 = arith.constant 0 : i32
    %scan3A_126 = arith.constant 16 : i32
    %scan3A_127 = arith.addi %scan3A_125, %scan3A_126 : i32
    %scan3A_128 = arith.constant 1 : i32
    %scan3A_129 = scf.for %scan3A_276 = %scan3A_125 to %scan3A_127 step %scan3A_128 iter_args(%scan3A_277 = %scan3A_124) -> (i32)  : i32 {
      %get3A = arith.index_cast %scan3A_276 : i32 to index
      %get3A_278 = arith.constant 0 : index
      %get3A_279 = tpu.vector_load %arg6[%get3A, %get3A_278] {strides = array<i32>} : memref<16x16xi32, #tpu.memory_space<vmem>>, vector<16xi32>,
      %mul3A_280 = arith.constant 16 : i32
      %mul3A_281 = arith.muli %scan3A_276, %mul3A_280 : i32
      %add3A_282 = vector.broadcast %mul3A_281 : i32 to vector<16xi32>
      %add3A_283 = arith.addi %iota3A, %add3A_282 : vector<16xi32>
      %gt3A = vector.broadcast %scan3A_122#1 : i32 to vector<16xi32>
      %gt3A_284 = arith.cmpi sgt, %add3A_283, %gt3A : vector<16xi32>
      %jit3A_285 = arith.constant 0 : i32
      %broadcast_in_dim3A_286 = vector.broadcast %jit3A_285 : i32 to vector<16xi32>
      %select_n3A_287 = arith.select %gt3A_284, %get3A_279, %broadcast_in_dim3A_286 : vector<16xi1>, vector<16xi32>
      %reduce_sum3A_288 = arith.constant true
      %reduce_sum3A_289 = vector.broadcast %reduce_sum3A_288 : i1 to vector<16xi1>
      %reduce_sum3A_290 = tpu.scan <sum>, %select_n3A_287 masked %reduce_sum3A_289 : vector<16xi32>, vector<16xi1> -> vector<16xi32>
      %reduce_sum3A_291 = vector.extract %reduce_sum3A_290[15] : i32 from vector<16xi32>
      %add3A_292 = arith.addi %scan3A_277, %reduce_sum3A_291 : i32
      scf.yield %add3A_292 : i32
    }
    %scan3A_130 = arith.constant 16 : i32
    %shift_left3A = arith.constant 0 : i32
    %shift_left3A_131 = arith.constant 8 : i32
    %shift_left3A_132 = arith.shli %shift_left3A, %shift_left3A_131 : i32
    %or3A = arith.ori %shift_left3A_132, %scan3A_122#1 : i32
    %scan3A_133 = arith.constant 0 : i32
    %scan3A_134 = arith.constant 0 : i32
    %scan3A_135 = arith.constant 16 : i32
    %scan3A_136 = arith.addi %scan3A_134, %scan3A_135 : i32
    %scan3A_137 = arith.constant 1 : i32
    scf.for %scan3A_276 = %scan3A_134 to %scan3A_136 step %scan3A_137  : i32 {
      %swap3A_277 = arith.index_cast %scan3A_276 : i32 to index
      %swap3A_278 = arith.constant 0 : index
      %swap3A_279 = tpu.vector_load %arg5[%swap3A_277, %swap3A_278] {strides = array<i32>} : memref<16x16xi32, #tpu.memory_space<vmem>>, vector<16xi32>,
      tpu.vector_store %arg5[%swap3A_277, %swap3A_278], %broadcast_in_dim3A_57 {strides = array<i32>} : memref<16x16xi32, #tpu.memory_space<vmem>>, vector<16xi32>,
    }
    %scan3A_138 = arith.constant 16 : i32
    %scan3A_139 = arith.constant 0 : i32
    %scan3A_140 = arith.constant 64 : i32
    %scan3A_141 = arith.addi %scan3A_139, %scan3A_140 : i32
    %scan3A_142 = arith.constant 1 : i32
    scf.for %scan3A_276 = %scan3A_139 to %scan3A_141 step %scan3A_142  : i32 {
      %mul3A_277 = arith.constant 16 : i32
      %mul3A_278 = arith.muli %scan3A_276, %mul3A_277 : i32
      %get3A = arith.index_cast %mul3A_278 : i32 to index
      %get3A_279 = tpu.vector_load %arg4[%get3A] {strides = array<i32>} : memref<1024xf32, #tpu.memory_space<vmem>>, vector<16xf32>,
      %bitcast_convert_type3A = tpu.bitcast %get3A_279 : vector<16xf32> -> vector<16xi32>
      %ge3A = arith.constant 0 : i32
      %ge3A_280 = vector.broadcast %ge3A : i32 to vector<16xi32>
      %ge3A_281 = arith.cmpi sge, %bitcast_convert_type3A, %ge3A_280 : vector<16xi32>
      %xor3A_282 = arith.constant 2147483647 : i32
      %xor3A_283 = vector.broadcast %xor3A_282 : i32 to vector<16xi32>
      %xor3A_284 = arith.xori %bitcast_convert_type3A, %xor3A_283 : vector<16xi32>
      %select_n3A_285 = arith.select %ge3A_281, %bitcast_convert_type3A, %xor3A_284 : vector<16xi1>, vector<16xi32>
      %xor3A_286 = arith.constant -2147483648 : i32
      %xor3A_287 = vector.broadcast %xor3A_286 : i32 to vector<16xi32>
      %xor3A_288 = arith.xori %select_n3A_285, %xor3A_287 : vector<16xi32>
      %shift_right_logical3A = arith.constant 16 : i32
      %shift_right_logical3A_289 = vector.broadcast %shift_right_logical3A : i32 to vector<16xi32>
      %shift_right_logical3A_290 = arith.shrui %xor3A_288, %shift_right_logical3A_289 : vector<16xi32>
      %and3A_291 = arith.constant 255 : i32
      %and3A_292 = vector.broadcast %and3A_291 : i32 to vector<16xi32>
      %and3A_293 = arith.andi %shift_right_logical3A_290, %and3A_292 : vector<16xi32>
      %shift_right_logical3A_294 = arith.constant 4 : i32
      %shift_right_logical3A_295 = vector.broadcast %shift_right_logical3A_294 : i32 to vector<16xi32>
      %shift_right_logical3A_296 = arith.shrui %and3A_293, %shift_right_logical3A_295 : vector<16xi32>
      %and3A_297 = arith.constant 15 : i32
      %and3A_298 = vector.broadcast %and3A_297 : i32 to vector<16xi32>
      %and3A_299 = arith.andi %and3A_293, %and3A_298 : vector<16xi32>
      %shift_right_logical3A_300 = arith.constant 24 : i32
      %shift_right_logical3A_301 = vector.broadcast %shift_right_logical3A_300 : i32 to vector<16xi32>
      %shift_right_logical3A_302 = arith.shrui %xor3A_288, %shift_right_logical3A_301 : vector<16xi32>
      %eq3A_303 = vector.broadcast %or3A : i32 to vector<16xi32>
      %eq3A_304 = arith.cmpi eq, %shift_right_logical3A_302, %eq3A_303 : vector<16xi32>
      tpu.vector_store_idx %arg5[%shift_right_logical3A_296, %and3A_299], %broadcast_in_dim3A_55 masked %eq3A_304 {add = true} : memref<16x16xi32, #tpu.memory_space<vmem>>[vector<16xi32>, vector<16xi32>], vector<16xi32>, vector<16xi1>
    }
    %scan3A_143 = arith.constant 64 : i32
    %add3A_144 = arith.constant 2 : i32
    %add3A_145 = arith.addi %add3A_144, %select_n3A_40 : i32
    %mul3A_146 = arith.constant 16 : i32
    %mul3A_147 = arith.muli %add3A_145, %mul3A_146 : i32
    %add3A_148 = vector.broadcast %mul3A_147 : i32 to vector<16xi32>
    %add3A_149 = arith.addi %add3A_148, %iota3A : vector<16xi32>
    %swap3A_150 = arith.constant 0 : index
    %swap3A_151 = tpu.vector_load %arg7[%swap3A_150] {strides = array<i32>} : memref<16xi32, #tpu.memory_space<vmem>>, vector<16xi32>,
    tpu.vector_store %arg7[%swap3A_150], %add3A_149 {strides = array<i32>} : memref<16xi32, #tpu.memory_space<vmem>>, vector<16xi32>,
    "tpu.region"() ({
      %run_scoped3A_276 = tpu.sem_alloc : memref<!tpu.dma_semaphore, #tpu.memory_space<semaphore_mem>>
      %dma_start3A = arith.constant 0 : i32
      %dma_start3A_277 = arith.constant 0 : i32
      %dma_start3A_278 = tpu.memref_slice %arg11[%dma_start3A, %dma_start3A_277] : memref<128x16xi32, #tpu.memory_space<vmem_shared>> -> memref<128x16xi32, #tpu.memory_space<vmem_shared>>
      tpu.enqueue_indirect_dma source(%arg5 : memref<16x16xi32, #tpu.memory_space<vmem>>) target(%dma_start3A_278 : memref<128x16xi32, #tpu.memory_space<vmem_shared>>) offsets(%arg7 : memref<16xi32, #tpu.memory_space<vmem>>) semaphore(%run_scoped3A_276 : memref<!tpu.dma_semaphore, #tpu.memory_space<semaphore_mem>>) {add = true}
      %dma_wait3A = arith.constant 0 : i32
      %dma_wait3A_279 = arith.constant 0 : i32
      %dma_wait3A_280 = tpu.memref_slice %arg11[%dma_wait3A, %dma_wait3A_279] : memref<128x16xi32, #tpu.memory_space<vmem_shared>> -> memref<128x16xi32, #tpu.memory_space<vmem_shared>>
      tpu.wait_indirect_dma semaphore(%run_scoped3A_276 : memref<!tpu.dma_semaphore, #tpu.memory_space<semaphore_mem>>) src(%arg5 : memref<16x16xi32, #tpu.memory_space<vmem>>) dst(%dma_wait3A_280 : memref<128x16xi32, #tpu.memory_space<vmem_shared>>)
      tpu.yield
    }) : () -> ()
    %barrier3A_152 = arith.constant 0 : index
    tpu.barrier barrier_id(%barrier3A_152)
    "tpu.region"() ({
      %run_scoped3A_276 = tpu.sem_alloc : memref<!tpu.dma_semaphore, #tpu.memory_space<semaphore_mem>>
      %dma_start3A = arith.constant 0 : i32
      %dma_start3A_277 = tpu.memref_slice %arg11[%mul3A_147, %dma_start3A] : memref<128x16xi32, #tpu.memory_space<vmem_shared>> -> memref<16x16xi32, #tpu.memory_space<vmem_shared>>
      %dma_start3A_278 = arith.constant 0 : i32
      %dma_start3A_279 = tpu.memref_slice %arg11[%mul3A_147, %dma_start3A_278] : memref<128x16xi32, #tpu.memory_space<vmem_shared>> -> memref<16x16xi32, #tpu.memory_space<vmem_shared>>
      tpu.enqueue_dma source(%dma_start3A_279 : memref<16x16xi32, #tpu.memory_space<vmem_shared>>) target(%arg6 : memref<16x16xi32, #tpu.memory_space<vmem>>) target_semaphore(%run_scoped3A_276 : memref<!tpu.dma_semaphore, #tpu.memory_space<semaphore_mem>>)
      %dma_wait3A = arith.constant 0 : i32
      %dma_wait3A_280 = tpu.memref_slice %arg11[%mul3A_147, %dma_wait3A] : memref<128x16xi32, #tpu.memory_space<vmem_shared>> -> memref<16x16xi32, #tpu.memory_space<vmem_shared>>
      %dma_wait3A_281 = arith.constant 0 : i32
      %dma_wait3A_282 = tpu.memref_slice %arg11[%mul3A_147, %dma_wait3A_281] : memref<128x16xi32, #tpu.memory_space<vmem_shared>> -> memref<16x16xi32, #tpu.memory_space<vmem_shared>>
      tpu.wait_dma2 semaphore(%run_scoped3A_276 : memref<!tpu.dma_semaphore, #tpu.memory_space<semaphore_mem>>) src(%dma_wait3A_282 : memref<16x16xi32, #tpu.memory_space<vmem_shared>>) dst(%arg6 : memref<16x16xi32, #tpu.memory_space<vmem>>)
      tpu.yield
    }) : () -> ()
    %sub3A_153 = arith.constant 6144 : i32
    %sub3A_154 = arith.subi %sub3A_153, %scan3A_129 : i32
    %scan3A_155 = arith.constant 0 : i32
    %scan3A_156 = arith.constant -1 : i32
    %scan3A_157 = arith.constant 0 : i32
    %scan3A_158 = arith.constant 16 : i32
    %scan3A_159 = arith.addi %scan3A_157, %scan3A_158 : i32
    %scan3A_160 = arith.constant 1 : i32
    %scan3A_161:2 = scf.for %scan3A_276 = %scan3A_157 to %scan3A_159 step %scan3A_160 iter_args(%scan3A_277 = %scan3A_155, %scan3A_278 = %scan3A_156) -> (i32, i32)  : i32 {
      %sub3A_279 = arith.constant 15 : i32
      %sub3A_280 = arith.subi %sub3A_279, %scan3A_276 : i32
      %get3A = arith.index_cast %sub3A_280 : i32 to index
      %get3A_281 = arith.constant 0 : index
      %get3A_282 = tpu.vector_load %arg6[%get3A, %get3A_281] {strides = array<i32>} : memref<16x16xi32, #tpu.memory_space<vmem>>, vector<16xi32>,
      %broadcast_in_dim3A_283 = arith.constant true
      %broadcast_in_dim3A_284 = vector.broadcast %broadcast_in_dim3A_283 : i1 to vector<16xi1>
      %masked_cumsum3A = tpu.scan <sum>, %get3A_282 masked %broadcast_in_dim3A_284 : vector<16xi32>, vector<16xi1> -> vector<16xi32>
      %reduce_sum3A_285 = arith.constant true
      %reduce_sum3A_286 = vector.broadcast %reduce_sum3A_285 : i1 to vector<16xi1>
      %reduce_sum3A_287 = tpu.scan <sum>, %get3A_282 masked %reduce_sum3A_286 : vector<16xi32>, vector<16xi1> -> vector<16xi32>
      %reduce_sum3A_288 = vector.extract %reduce_sum3A_287[15] : i32 from vector<16xi32>
      %add3A_289 = arith.addi %scan3A_277, %reduce_sum3A_288 : i32
      %sub3A_290 = vector.broadcast %add3A_289 : i32 to vector<16xi32>
      %sub3A_291 = arith.subi %sub3A_290, %masked_cumsum3A : vector<16xi32>
      %add3A_292 = arith.addi %sub3A_291, %get3A_282 : vector<16xi32>
      %ge3A = vector.broadcast %sub3A_154 : i32 to vector<16xi32>
      %ge3A_293 = arith.cmpi sge, %add3A_292, %ge3A : vector<16xi32>
      %mul3A_294 = arith.constant 16 : i32
      %mul3A_295 = arith.muli %sub3A_280, %mul3A_294 : i32
      %add3A_296 = vector.broadcast %mul3A_295 : i32 to vector<16xi32>
      %add3A_297 = arith.addi %iota3A, %add3A_296 : vector<16xi32>
      %jit3A_298 = arith.constant -1 : i32
      %broadcast_in_dim3A_299 = vector.broadcast %jit3A_298 : i32 to vector<16xi32>
      %select_n3A_300 = arith.select %ge3A_293, %add3A_297, %broadcast_in_dim3A_299 : vector<16xi1>, vector<16xi32>
      %reduce_max3A_301 = arith.constant true
      %reduce_max3A_302 = vector.broadcast %reduce_max3A_301 : i1 to vector<16xi1>
      %reduce_max3A_303 = arith.constant -2147483648 : i32
      %reduce_max3A_304 = vector.broadcast %reduce_max3A_303 : i32 to vector<16xi32>
      %reduce_max3A_305 = arith.xori %select_n3A_300, %reduce_max3A_304 : vector<16xi32>
      %reduce_max3A_306 = tpu.scan <max>, %reduce_max3A_305 masked %reduce_max3A_302 : vector<16xi32>, vector<16xi1> -> vector<16xi32>
      %reduce_max3A_307 = arith.xori %reduce_max3A_306, %reduce_max3A_304 : vector<16xi32>
      %reduce_max3A_308 = vector.extract %reduce_max3A_307[15] : i32 from vector<16xi32>
      %max3A = arith.maxsi %scan3A_278, %reduce_max3A_308 : i32
      %add3A_309 = arith.addi %scan3A_277, %reduce_sum3A_288 : i32
      scf.yield %add3A_309, %max3A : i32, i32
    }
    %scan3A_162 = arith.constant 16 : i32
    %scan3A_163 = arith.constant 0 : i32
    %scan3A_164 = arith.constant 16 : i32
    %scan3A_165 = arith.addi %scan3A_163, %scan3A_164 : i32
    %scan3A_166 = arith.constant 1 : i32
    %scan3A_167 = scf.for %scan3A_276 = %scan3A_163 to %scan3A_165 step %scan3A_166 iter_args(%scan3A_277 = %scan3A_129) -> (i32)  : i32 {
      %get3A = arith.index_cast %scan3A_276 : i32 to index
      %get3A_278 = arith.constant 0 : index
      %get3A_279 = tpu.vector_load %arg6[%get3A, %get3A_278] {strides = array<i32>} : memref<16x16xi32, #tpu.memory_space<vmem>>, vector<16xi32>,
      %mul3A_280 = arith.constant 16 : i32
      %mul3A_281 = arith.muli %scan3A_276, %mul3A_280 : i32
      %add3A_282 = vector.broadcast %mul3A_281 : i32 to vector<16xi32>
      %add3A_283 = arith.addi %iota3A, %add3A_282 : vector<16xi32>
      %gt3A = vector.broadcast %scan3A_161#1 : i32 to vector<16xi32>
      %gt3A_284 = arith.cmpi sgt, %add3A_283, %gt3A : vector<16xi32>
      %jit3A_285 = arith.constant 0 : i32
      %broadcast_in_dim3A_286 = vector.broadcast %jit3A_285 : i32 to vector<16xi32>
      %select_n3A_287 = arith.select %gt3A_284, %get3A_279, %broadcast_in_dim3A_286 : vector<16xi1>, vector<16xi32>
      %reduce_sum3A_288 = arith.constant true
      %reduce_sum3A_289 = vector.broadcast %reduce_sum3A_288 : i1 to vector<16xi1>
      %reduce_sum3A_290 = tpu.scan <sum>, %select_n3A_287 masked %reduce_sum3A_289 : vector<16xi32>, vector<16xi1> -> vector<16xi32>
      %reduce_sum3A_291 = vector.extract %reduce_sum3A_290[15] : i32 from vector<16xi32>
      %add3A_292 = arith.addi %scan3A_277, %reduce_sum3A_291 : i32
      scf.yield %add3A_292 : i32
    }
    %scan3A_168 = arith.constant 16 : i32
    %shift_left3A_169 = arith.constant 8 : i32
    %shift_left3A_170 = arith.shli %or3A, %shift_left3A_169 : i32
    %or3A_171 = arith.ori %shift_left3A_170, %scan3A_161#1 : i32
    %scan3A_172 = arith.constant 0 : i32
    %scan3A_173 = arith.constant 0 : i32
    %scan3A_174 = arith.constant 16 : i32
    %scan3A_175 = arith.addi %scan3A_173, %scan3A_174 : i32
    %scan3A_176 = arith.constant 1 : i32
    scf.for %scan3A_276 = %scan3A_173 to %scan3A_175 step %scan3A_176  : i32 {
      %swap3A_277 = arith.index_cast %scan3A_276 : i32 to index
      %swap3A_278 = arith.constant 0 : index
      %swap3A_279 = tpu.vector_load %arg5[%swap3A_277, %swap3A_278] {strides = array<i32>} : memref<16x16xi32, #tpu.memory_space<vmem>>, vector<16xi32>,
      tpu.vector_store %arg5[%swap3A_277, %swap3A_278], %broadcast_in_dim3A_57 {strides = array<i32>} : memref<16x16xi32, #tpu.memory_space<vmem>>, vector<16xi32>,
    }
    %scan3A_177 = arith.constant 16 : i32
    %scan3A_178 = arith.constant 0 : i32
    %scan3A_179 = arith.constant 64 : i32
    %scan3A_180 = arith.addi %scan3A_178, %scan3A_179 : i32
    %scan3A_181 = arith.constant 1 : i32
    scf.for %scan3A_276 = %scan3A_178 to %scan3A_180 step %scan3A_181  : i32 {
      %mul3A_277 = arith.constant 16 : i32
      %mul3A_278 = arith.muli %scan3A_276, %mul3A_277 : i32
      %get3A = arith.index_cast %mul3A_278 : i32 to index
      %get3A_279 = tpu.vector_load %arg4[%get3A] {strides = array<i32>} : memref<1024xf32, #tpu.memory_space<vmem>>, vector<16xf32>,
      %bitcast_convert_type3A = tpu.bitcast %get3A_279 : vector<16xf32> -> vector<16xi32>
      %ge3A = arith.constant 0 : i32
      %ge3A_280 = vector.broadcast %ge3A : i32 to vector<16xi32>
      %ge3A_281 = arith.cmpi sge, %bitcast_convert_type3A, %ge3A_280 : vector<16xi32>
      %xor3A_282 = arith.constant 2147483647 : i32
      %xor3A_283 = vector.broadcast %xor3A_282 : i32 to vector<16xi32>
      %xor3A_284 = arith.xori %bitcast_convert_type3A, %xor3A_283 : vector<16xi32>
      %select_n3A_285 = arith.select %ge3A_281, %bitcast_convert_type3A, %xor3A_284 : vector<16xi1>, vector<16xi32>
      %xor3A_286 = arith.constant -2147483648 : i32
      %xor3A_287 = vector.broadcast %xor3A_286 : i32 to vector<16xi32>
      %xor3A_288 = arith.xori %select_n3A_285, %xor3A_287 : vector<16xi32>
      %shift_right_logical3A = arith.constant 8 : i32
      %shift_right_logical3A_289 = vector.broadcast %shift_right_logical3A : i32 to vector<16xi32>
      %shift_right_logical3A_290 = arith.shrui %xor3A_288, %shift_right_logical3A_289 : vector<16xi32>
      %and3A_291 = arith.constant 255 : i32
      %and3A_292 = vector.broadcast %and3A_291 : i32 to vector<16xi32>
      %and3A_293 = arith.andi %shift_right_logical3A_290, %and3A_292 : vector<16xi32>
      %shift_right_logical3A_294 = arith.constant 4 : i32
      %shift_right_logical3A_295 = vector.broadcast %shift_right_logical3A_294 : i32 to vector<16xi32>
      %shift_right_logical3A_296 = arith.shrui %and3A_293, %shift_right_logical3A_295 : vector<16xi32>
      %and3A_297 = arith.constant 15 : i32
      %and3A_298 = vector.broadcast %and3A_297 : i32 to vector<16xi32>
      %and3A_299 = arith.andi %and3A_293, %and3A_298 : vector<16xi32>
      %shift_right_logical3A_300 = arith.constant 16 : i32
      %shift_right_logical3A_301 = vector.broadcast %shift_right_logical3A_300 : i32 to vector<16xi32>
      %shift_right_logical3A_302 = arith.shrui %xor3A_288, %shift_right_logical3A_301 : vector<16xi32>
      %eq3A_303 = vector.broadcast %or3A_171 : i32 to vector<16xi32>
      %eq3A_304 = arith.cmpi eq, %shift_right_logical3A_302, %eq3A_303 : vector<16xi32>
      tpu.vector_store_idx %arg5[%shift_right_logical3A_296, %and3A_299], %broadcast_in_dim3A_55 masked %eq3A_304 {add = true} : memref<16x16xi32, #tpu.memory_space<vmem>>[vector<16xi32>, vector<16xi32>], vector<16xi32>, vector<16xi1>
    }
    %scan3A_182 = arith.constant 64 : i32
    %add3A_183 = arith.constant 4 : i32
    %add3A_184 = arith.addi %add3A_183, %select_n3A_40 : i32
    %mul3A_185 = arith.constant 16 : i32
    %mul3A_186 = arith.muli %add3A_184, %mul3A_185 : i32
    %add3A_187 = vector.broadcast %mul3A_186 : i32 to vector<16xi32>
    %add3A_188 = arith.addi %add3A_187, %iota3A : vector<16xi32>
    %swap3A_189 = arith.constant 0 : index
    %swap3A_190 = tpu.vector_load %arg7[%swap3A_189] {strides = array<i32>} : memref<16xi32, #tpu.memory_space<vmem>>, vector<16xi32>,
    tpu.vector_store %arg7[%swap3A_189], %add3A_188 {strides = array<i32>} : memref<16xi32, #tpu.memory_space<vmem>>, vector<16xi32>,
    "tpu.region"() ({
      %run_scoped3A_276 = tpu.sem_alloc : memref<!tpu.dma_semaphore, #tpu.memory_space<semaphore_mem>>
      %dma_start3A = arith.constant 0 : i32
      %dma_start3A_277 = arith.constant 0 : i32
      %dma_start3A_278 = tpu.memref_slice %arg11[%dma_start3A, %dma_start3A_277] : memref<128x16xi32, #tpu.memory_space<vmem_shared>> -> memref<128x16xi32, #tpu.memory_space<vmem_shared>>
      tpu.enqueue_indirect_dma source(%arg5 : memref<16x16xi32, #tpu.memory_space<vmem>>) target(%dma_start3A_278 : memref<128x16xi32, #tpu.memory_space<vmem_shared>>) offsets(%arg7 : memref<16xi32, #tpu.memory_space<vmem>>) semaphore(%run_scoped3A_276 : memref<!tpu.dma_semaphore, #tpu.memory_space<semaphore_mem>>) {add = true}
      %dma_wait3A = arith.constant 0 : i32
      %dma_wait3A_279 = arith.constant 0 : i32
      %dma_wait3A_280 = tpu.memref_slice %arg11[%dma_wait3A, %dma_wait3A_279] : memref<128x16xi32, #tpu.memory_space<vmem_shared>> -> memref<128x16xi32, #tpu.memory_space<vmem_shared>>
      tpu.wait_indirect_dma semaphore(%run_scoped3A_276 : memref<!tpu.dma_semaphore, #tpu.memory_space<semaphore_mem>>) src(%arg5 : memref<16x16xi32, #tpu.memory_space<vmem>>) dst(%dma_wait3A_280 : memref<128x16xi32, #tpu.memory_space<vmem_shared>>)
      tpu.yield
    }) : () -> ()
    %barrier3A_191 = arith.constant 0 : index
    tpu.barrier barrier_id(%barrier3A_191)
    "tpu.region"() ({
      %run_scoped3A_276 = tpu.sem_alloc : memref<!tpu.dma_semaphore, #tpu.memory_space<semaphore_mem>>
      %dma_start3A = arith.constant 0 : i32
      %dma_start3A_277 = tpu.memref_slice %arg11[%mul3A_186, %dma_start3A] : memref<128x16xi32, #tpu.memory_space<vmem_shared>> -> memref<16x16xi32, #tpu.memory_space<vmem_shared>>
      %dma_start3A_278 = arith.constant 0 : i32
      %dma_start3A_279 = tpu.memref_slice %arg11[%mul3A_186, %dma_start3A_278] : memref<128x16xi32, #tpu.memory_space<vmem_shared>> -> memref<16x16xi32, #tpu.memory_space<vmem_shared>>
      tpu.enqueue_dma source(%dma_start3A_279 : memref<16x16xi32, #tpu.memory_space<vmem_shared>>) target(%arg6 : memref<16x16xi32, #tpu.memory_space<vmem>>) target_semaphore(%run_scoped3A_276 : memref<!tpu.dma_semaphore, #tpu.memory_space<semaphore_mem>>)
      %dma_wait3A = arith.constant 0 : i32
      %dma_wait3A_280 = tpu.memref_slice %arg11[%mul3A_186, %dma_wait3A] : memref<128x16xi32, #tpu.memory_space<vmem_shared>> -> memref<16x16xi32, #tpu.memory_space<vmem_shared>>
      %dma_wait3A_281 = arith.constant 0 : i32
      %dma_wait3A_282 = tpu.memref_slice %arg11[%mul3A_186, %dma_wait3A_281] : memref<128x16xi32, #tpu.memory_space<vmem_shared>> -> memref<16x16xi32, #tpu.memory_space<vmem_shared>>
      tpu.wait_dma2 semaphore(%run_scoped3A_276 : memref<!tpu.dma_semaphore, #tpu.memory_space<semaphore_mem>>) src(%dma_wait3A_282 : memref<16x16xi32, #tpu.memory_space<vmem_shared>>) dst(%arg6 : memref<16x16xi32, #tpu.memory_space<vmem>>)
      tpu.yield
    }) : () -> ()
    %sub3A_192 = arith.constant 6144 : i32
    %sub3A_193 = arith.subi %sub3A_192, %scan3A_167 : i32
    %scan3A_194 = arith.constant 0 : i32
    %scan3A_195 = arith.constant -1 : i32
    %scan3A_196 = arith.constant 0 : i32
    %scan3A_197 = arith.constant 16 : i32
    %scan3A_198 = arith.addi %scan3A_196, %scan3A_197 : i32
    %scan3A_199 = arith.constant 1 : i32
    %scan3A_200:2 = scf.for %scan3A_276 = %scan3A_196 to %scan3A_198 step %scan3A_199 iter_args(%scan3A_277 = %scan3A_194, %scan3A_278 = %scan3A_195) -> (i32, i32)  : i32 {
      %sub3A_279 = arith.constant 15 : i32
      %sub3A_280 = arith.subi %sub3A_279, %scan3A_276 : i32
      %get3A = arith.index_cast %sub3A_280 : i32 to index
      %get3A_281 = arith.constant 0 : index
      %get3A_282 = tpu.vector_load %arg6[%get3A, %get3A_281] {strides = array<i32>} : memref<16x16xi32, #tpu.memory_space<vmem>>, vector<16xi32>,
      %broadcast_in_dim3A_283 = arith.constant true
      %broadcast_in_dim3A_284 = vector.broadcast %broadcast_in_dim3A_283 : i1 to vector<16xi1>
      %masked_cumsum3A = tpu.scan <sum>, %get3A_282 masked %broadcast_in_dim3A_284 : vector<16xi32>, vector<16xi1> -> vector<16xi32>
      %reduce_sum3A_285 = arith.constant true
      %reduce_sum3A_286 = vector.broadcast %reduce_sum3A_285 : i1 to vector<16xi1>
      %reduce_sum3A_287 = tpu.scan <sum>, %get3A_282 masked %reduce_sum3A_286 : vector<16xi32>, vector<16xi1> -> vector<16xi32>
      %reduce_sum3A_288 = vector.extract %reduce_sum3A_287[15] : i32 from vector<16xi32>
      %add3A_289 = arith.addi %scan3A_277, %reduce_sum3A_288 : i32
      %sub3A_290 = vector.broadcast %add3A_289 : i32 to vector<16xi32>
      %sub3A_291 = arith.subi %sub3A_290, %masked_cumsum3A : vector<16xi32>
      %add3A_292 = arith.addi %sub3A_291, %get3A_282 : vector<16xi32>
      %ge3A = vector.broadcast %sub3A_193 : i32 to vector<16xi32>
      %ge3A_293 = arith.cmpi sge, %add3A_292, %ge3A : vector<16xi32>
      %mul3A_294 = arith.constant 16 : i32
      %mul3A_295 = arith.muli %sub3A_280, %mul3A_294 : i32
      %add3A_296 = vector.broadcast %mul3A_295 : i32 to vector<16xi32>
      %add3A_297 = arith.addi %iota3A, %add3A_296 : vector<16xi32>
      %jit3A_298 = arith.constant -1 : i32
      %broadcast_in_dim3A_299 = vector.broadcast %jit3A_298 : i32 to vector<16xi32>
      %select_n3A_300 = arith.select %ge3A_293, %add3A_297, %broadcast_in_dim3A_299 : vector<16xi1>, vector<16xi32>
      %reduce_max3A_301 = arith.constant true
      %reduce_max3A_302 = vector.broadcast %reduce_max3A_301 : i1 to vector<16xi1>
      %reduce_max3A_303 = arith.constant -2147483648 : i32
      %reduce_max3A_304 = vector.broadcast %reduce_max3A_303 : i32 to vector<16xi32>
      %reduce_max3A_305 = arith.xori %select_n3A_300, %reduce_max3A_304 : vector<16xi32>
      %reduce_max3A_306 = tpu.scan <max>, %reduce_max3A_305 masked %reduce_max3A_302 : vector<16xi32>, vector<16xi1> -> vector<16xi32>
      %reduce_max3A_307 = arith.xori %reduce_max3A_306, %reduce_max3A_304 : vector<16xi32>
      %reduce_max3A_308 = vector.extract %reduce_max3A_307[15] : i32 from vector<16xi32>
      %max3A = arith.maxsi %scan3A_278, %reduce_max3A_308 : i32
      %add3A_309 = arith.addi %scan3A_277, %reduce_sum3A_288 : i32
      scf.yield %add3A_309, %max3A : i32, i32
    }
    %scan3A_201 = arith.constant 16 : i32
    %scan3A_202 = arith.constant 0 : i32
    %scan3A_203 = arith.constant 16 : i32
    %scan3A_204 = arith.addi %scan3A_202, %scan3A_203 : i32
    %scan3A_205 = arith.constant 1 : i32
    %scan3A_206 = scf.for %scan3A_276 = %scan3A_202 to %scan3A_204 step %scan3A_205 iter_args(%scan3A_277 = %scan3A_167) -> (i32)  : i32 {
      %get3A = arith.index_cast %scan3A_276 : i32 to index
      %get3A_278 = arith.constant 0 : index
      %get3A_279 = tpu.vector_load %arg6[%get3A, %get3A_278] {strides = array<i32>} : memref<16x16xi32, #tpu.memory_space<vmem>>, vector<16xi32>,
      %mul3A_280 = arith.constant 16 : i32
      %mul3A_281 = arith.muli %scan3A_276, %mul3A_280 : i32
      %add3A_282 = vector.broadcast %mul3A_281 : i32 to vector<16xi32>
      %add3A_283 = arith.addi %iota3A, %add3A_282 : vector<16xi32>
      %gt3A = vector.broadcast %scan3A_200#1 : i32 to vector<16xi32>
      %gt3A_284 = arith.cmpi sgt, %add3A_283, %gt3A : vector<16xi32>
      %jit3A_285 = arith.constant 0 : i32
      %broadcast_in_dim3A_286 = vector.broadcast %jit3A_285 : i32 to vector<16xi32>
      %select_n3A_287 = arith.select %gt3A_284, %get3A_279, %broadcast_in_dim3A_286 : vector<16xi1>, vector<16xi32>
      %reduce_sum3A_288 = arith.constant true
      %reduce_sum3A_289 = vector.broadcast %reduce_sum3A_288 : i1 to vector<16xi1>
      %reduce_sum3A_290 = tpu.scan <sum>, %select_n3A_287 masked %reduce_sum3A_289 : vector<16xi32>, vector<16xi1> -> vector<16xi32>
      %reduce_sum3A_291 = vector.extract %reduce_sum3A_290[15] : i32 from vector<16xi32>
      %add3A_292 = arith.addi %scan3A_277, %reduce_sum3A_291 : i32
      scf.yield %add3A_292 : i32
    }
    %scan3A_207 = arith.constant 16 : i32
    %shift_left3A_208 = arith.constant 8 : i32
    %shift_left3A_209 = arith.shli %or3A_171, %shift_left3A_208 : i32
    %or3A_210 = arith.ori %shift_left3A_209, %scan3A_200#1 : i32
    %scan3A_211 = arith.constant 0 : i32
    %scan3A_212 = arith.constant 0 : i32
    %scan3A_213 = arith.constant 16 : i32
    %scan3A_214 = arith.addi %scan3A_212, %scan3A_213 : i32
    %scan3A_215 = arith.constant 1 : i32
    scf.for %scan3A_276 = %scan3A_212 to %scan3A_214 step %scan3A_215  : i32 {
      %swap3A_277 = arith.index_cast %scan3A_276 : i32 to index
      %swap3A_278 = arith.constant 0 : index
      %swap3A_279 = tpu.vector_load %arg5[%swap3A_277, %swap3A_278] {strides = array<i32>} : memref<16x16xi32, #tpu.memory_space<vmem>>, vector<16xi32>,
      tpu.vector_store %arg5[%swap3A_277, %swap3A_278], %broadcast_in_dim3A_57 {strides = array<i32>} : memref<16x16xi32, #tpu.memory_space<vmem>>, vector<16xi32>,
    }
    %scan3A_216 = arith.constant 16 : i32
    %scan3A_217 = arith.constant 0 : i32
    %scan3A_218 = arith.constant 64 : i32
    %scan3A_219 = arith.addi %scan3A_217, %scan3A_218 : i32
    %scan3A_220 = arith.constant 1 : i32
    scf.for %scan3A_276 = %scan3A_217 to %scan3A_219 step %scan3A_220  : i32 {
      %mul3A_277 = arith.constant 16 : i32
      %mul3A_278 = arith.muli %scan3A_276, %mul3A_277 : i32
      %get3A = arith.index_cast %mul3A_278 : i32 to index
      %get3A_279 = tpu.vector_load %arg4[%get3A] {strides = array<i32>} : memref<1024xf32, #tpu.memory_space<vmem>>, vector<16xf32>,
      %bitcast_convert_type3A = tpu.bitcast %get3A_279 : vector<16xf32> -> vector<16xi32>
      %ge3A = arith.constant 0 : i32
      %ge3A_280 = vector.broadcast %ge3A : i32 to vector<16xi32>
      %ge3A_281 = arith.cmpi sge, %bitcast_convert_type3A, %ge3A_280 : vector<16xi32>
      %xor3A_282 = arith.constant 2147483647 : i32
      %xor3A_283 = vector.broadcast %xor3A_282 : i32 to vector<16xi32>
      %xor3A_284 = arith.xori %bitcast_convert_type3A, %xor3A_283 : vector<16xi32>
      %select_n3A_285 = arith.select %ge3A_281, %bitcast_convert_type3A, %xor3A_284 : vector<16xi1>, vector<16xi32>
      %xor3A_286 = arith.constant -2147483648 : i32
      %xor3A_287 = vector.broadcast %xor3A_286 : i32 to vector<16xi32>
      %xor3A_288 = arith.xori %select_n3A_285, %xor3A_287 : vector<16xi32>
      %shift_right_logical3A = arith.constant 0 : i32
      %shift_right_logical3A_289 = vector.broadcast %shift_right_logical3A : i32 to vector<16xi32>
      %shift_right_logical3A_290 = arith.shrui %xor3A_288, %shift_right_logical3A_289 : vector<16xi32>
      %and3A_291 = arith.constant 255 : i32
      %and3A_292 = vector.broadcast %and3A_291 : i32 to vector<16xi32>
      %and3A_293 = arith.andi %shift_right_logical3A_290, %and3A_292 : vector<16xi32>
      %shift_right_logical3A_294 = arith.constant 4 : i32
      %shift_right_logical3A_295 = vector.broadcast %shift_right_logical3A_294 : i32 to vector<16xi32>
      %shift_right_logical3A_296 = arith.shrui %and3A_293, %shift_right_logical3A_295 : vector<16xi32>
      %and3A_297 = arith.constant 15 : i32
      %and3A_298 = vector.broadcast %and3A_297 : i32 to vector<16xi32>
      %and3A_299 = arith.andi %and3A_293, %and3A_298 : vector<16xi32>
      %shift_right_logical3A_300 = arith.constant 8 : i32
      %shift_right_logical3A_301 = vector.broadcast %shift_right_logical3A_300 : i32 to vector<16xi32>
      %shift_right_logical3A_302 = arith.shrui %xor3A_288, %shift_right_logical3A_301 : vector<16xi32>
      %eq3A_303 = vector.broadcast %or3A_210 : i32 to vector<16xi32>
      %eq3A_304 = arith.cmpi eq, %shift_right_logical3A_302, %eq3A_303 : vector<16xi32>
      tpu.vector_store_idx %arg5[%shift_right_logical3A_296, %and3A_299], %broadcast_in_dim3A_55 masked %eq3A_304 {add = true} : memref<16x16xi32, #tpu.memory_space<vmem>>[vector<16xi32>, vector<16xi32>], vector<16xi32>, vector<16xi1>
    }
    %scan3A_221 = arith.constant 64 : i32
    %add3A_222 = arith.constant 6 : i32
    %add3A_223 = arith.addi %add3A_222, %select_n3A_40 : i32
    %mul3A_224 = arith.constant 16 : i32
    %mul3A_225 = arith.muli %add3A_223, %mul3A_224 : i32
    %add3A_226 = vector.broadcast %mul3A_225 : i32 to vector<16xi32>
    %add3A_227 = arith.addi %add3A_226, %iota3A : vector<16xi32>
    %swap3A_228 = arith.constant 0 : index
    %swap3A_229 = tpu.vector_load %arg7[%swap3A_228] {strides = array<i32>} : memref<16xi32, #tpu.memory_space<vmem>>, vector<16xi32>,
    tpu.vector_store %arg7[%swap3A_228], %add3A_227 {strides = array<i32>} : memref<16xi32, #tpu.memory_space<vmem>>, vector<16xi32>,
    "tpu.region"() ({
      %run_scoped3A_276 = tpu.sem_alloc : memref<!tpu.dma_semaphore, #tpu.memory_space<semaphore_mem>>
      %dma_start3A = arith.constant 0 : i32
      %dma_start3A_277 = arith.constant 0 : i32
      %dma_start3A_278 = tpu.memref_slice %arg11[%dma_start3A, %dma_start3A_277] : memref<128x16xi32, #tpu.memory_space<vmem_shared>> -> memref<128x16xi32, #tpu.memory_space<vmem_shared>>
      tpu.enqueue_indirect_dma source(%arg5 : memref<16x16xi32, #tpu.memory_space<vmem>>) target(%dma_start3A_278 : memref<128x16xi32, #tpu.memory_space<vmem_shared>>) offsets(%arg7 : memref<16xi32, #tpu.memory_space<vmem>>) semaphore(%run_scoped3A_276 : memref<!tpu.dma_semaphore, #tpu.memory_space<semaphore_mem>>) {add = true}
      %dma_wait3A = arith.constant 0 : i32
      %dma_wait3A_279 = arith.constant 0 : i32
      %dma_wait3A_280 = tpu.memref_slice %arg11[%dma_wait3A, %dma_wait3A_279] : memref<128x16xi32, #tpu.memory_space<vmem_shared>> -> memref<128x16xi32, #tpu.memory_space<vmem_shared>>
      tpu.wait_indirect_dma semaphore(%run_scoped3A_276 : memref<!tpu.dma_semaphore, #tpu.memory_space<semaphore_mem>>) src(%arg5 : memref<16x16xi32, #tpu.memory_space<vmem>>) dst(%dma_wait3A_280 : memref<128x16xi32, #tpu.memory_space<vmem_shared>>)
      tpu.yield
    }) : () -> ()
    %barrier3A_230 = arith.constant 0 : index
    tpu.barrier barrier_id(%barrier3A_230)
    "tpu.region"() ({
      %run_scoped3A_276 = tpu.sem_alloc : memref<!tpu.dma_semaphore, #tpu.memory_space<semaphore_mem>>
      %dma_start3A = arith.constant 0 : i32
      %dma_start3A_277 = tpu.memref_slice %arg11[%mul3A_225, %dma_start3A] : memref<128x16xi32, #tpu.memory_space<vmem_shared>> -> memref<16x16xi32, #tpu.memory_space<vmem_shared>>
      %dma_start3A_278 = arith.constant 0 : i32
      %dma_start3A_279 = tpu.memref_slice %arg11[%mul3A_225, %dma_start3A_278] : memref<128x16xi32, #tpu.memory_space<vmem_shared>> -> memref<16x16xi32, #tpu.memory_space<vmem_shared>>
      tpu.enqueue_dma source(%dma_start3A_279 : memref<16x16xi32, #tpu.memory_space<vmem_shared>>) target(%arg6 : memref<16x16xi32, #tpu.memory_space<vmem>>) target_semaphore(%run_scoped3A_276 : memref<!tpu.dma_semaphore, #tpu.memory_space<semaphore_mem>>)
      %dma_wait3A = arith.constant 0 : i32
      %dma_wait3A_280 = tpu.memref_slice %arg11[%mul3A_225, %dma_wait3A] : memref<128x16xi32, #tpu.memory_space<vmem_shared>> -> memref<16x16xi32, #tpu.memory_space<vmem_shared>>
      %dma_wait3A_281 = arith.constant 0 : i32
      %dma_wait3A_282 = tpu.memref_slice %arg11[%mul3A_225, %dma_wait3A_281] : memref<128x16xi32, #tpu.memory_space<vmem_shared>> -> memref<16x16xi32, #tpu.memory_space<vmem_shared>>
      tpu.wait_dma2 semaphore(%run_scoped3A_276 : memref<!tpu.dma_semaphore, #tpu.memory_space<semaphore_mem>>) src(%dma_wait3A_282 : memref<16x16xi32, #tpu.memory_space<vmem_shared>>) dst(%arg6 : memref<16x16xi32, #tpu.memory_space<vmem>>)
      tpu.yield
    }) : () -> ()
    %sub3A_231 = arith.constant 6144 : i32
    %sub3A_232 = arith.subi %sub3A_231, %scan3A_206 : i32
    %scan3A_233 = arith.constant 0 : i32
    %scan3A_234 = arith.constant -1 : i32
    %scan3A_235 = arith.constant 0 : i32
    %scan3A_236 = arith.constant 16 : i32
    %scan3A_237 = arith.addi %scan3A_235, %scan3A_236 : i32
    %scan3A_238 = arith.constant 1 : i32
    %scan3A_239:2 = scf.for %scan3A_276 = %scan3A_235 to %scan3A_237 step %scan3A_238 iter_args(%scan3A_277 = %scan3A_233, %scan3A_278 = %scan3A_234) -> (i32, i32)  : i32 {
      %sub3A_279 = arith.constant 15 : i32
      %sub3A_280 = arith.subi %sub3A_279, %scan3A_276 : i32
      %get3A = arith.index_cast %sub3A_280 : i32 to index
      %get3A_281 = arith.constant 0 : index
      %get3A_282 = tpu.vector_load %arg6[%get3A, %get3A_281] {strides = array<i32>} : memref<16x16xi32, #tpu.memory_space<vmem>>, vector<16xi32>,
      %broadcast_in_dim3A_283 = arith.constant true
      %broadcast_in_dim3A_284 = vector.broadcast %broadcast_in_dim3A_283 : i1 to vector<16xi1>
      %masked_cumsum3A = tpu.scan <sum>, %get3A_282 masked %broadcast_in_dim3A_284 : vector<16xi32>, vector<16xi1> -> vector<16xi32>
      %reduce_sum3A_285 = arith.constant true
      %reduce_sum3A_286 = vector.broadcast %reduce_sum3A_285 : i1 to vector<16xi1>
      %reduce_sum3A_287 = tpu.scan <sum>, %get3A_282 masked %reduce_sum3A_286 : vector<16xi32>, vector<16xi1> -> vector<16xi32>
      %reduce_sum3A_288 = vector.extract %reduce_sum3A_287[15] : i32 from vector<16xi32>
      %add3A_289 = arith.addi %scan3A_277, %reduce_sum3A_288 : i32
      %sub3A_290 = vector.broadcast %add3A_289 : i32 to vector<16xi32>
      %sub3A_291 = arith.subi %sub3A_290, %masked_cumsum3A : vector<16xi32>
      %add3A_292 = arith.addi %sub3A_291, %get3A_282 : vector<16xi32>
      %ge3A = vector.broadcast %sub3A_232 : i32 to vector<16xi32>
      %ge3A_293 = arith.cmpi sge, %add3A_292, %ge3A : vector<16xi32>
      %mul3A_294 = arith.constant 16 : i32
      %mul3A_295 = arith.muli %sub3A_280, %mul3A_294 : i32
      %add3A_296 = vector.broadcast %mul3A_295 : i32 to vector<16xi32>
      %add3A_297 = arith.addi %iota3A, %add3A_296 : vector<16xi32>
      %jit3A_298 = arith.constant -1 : i32
      %broadcast_in_dim3A_299 = vector.broadcast %jit3A_298 : i32 to vector<16xi32>
      %select_n3A_300 = arith.select %ge3A_293, %add3A_297, %broadcast_in_dim3A_299 : vector<16xi1>, vector<16xi32>
      %reduce_max3A_301 = arith.constant true
      %reduce_max3A_302 = vector.broadcast %reduce_max3A_301 : i1 to vector<16xi1>
      %reduce_max3A_303 = arith.constant -2147483648 : i32
      %reduce_max3A_304 = vector.broadcast %reduce_max3A_303 : i32 to vector<16xi32>
      %reduce_max3A_305 = arith.xori %select_n3A_300, %reduce_max3A_304 : vector<16xi32>
      %reduce_max3A_306 = tpu.scan <max>, %reduce_max3A_305 masked %reduce_max3A_302 : vector<16xi32>, vector<16xi1> -> vector<16xi32>
      %reduce_max3A_307 = arith.xori %reduce_max3A_306, %reduce_max3A_304 : vector<16xi32>
      %reduce_max3A_308 = vector.extract %reduce_max3A_307[15] : i32 from vector<16xi32>
      %max3A = arith.maxsi %scan3A_278, %reduce_max3A_308 : i32
      %add3A_309 = arith.addi %scan3A_277, %reduce_sum3A_288 : i32
      scf.yield %add3A_309, %max3A : i32, i32
    }
    %scan3A_240 = arith.constant 16 : i32
    %scan3A_241 = arith.constant 0 : i32
    %scan3A_242 = arith.constant 16 : i32
    %scan3A_243 = arith.addi %scan3A_241, %scan3A_242 : i32
    %scan3A_244 = arith.constant 1 : i32
    %scan3A_245 = scf.for %scan3A_276 = %scan3A_241 to %scan3A_243 step %scan3A_244 iter_args(%scan3A_277 = %scan3A_206) -> (i32)  : i32 {
      %get3A = arith.index_cast %scan3A_276 : i32 to index
      %get3A_278 = arith.constant 0 : index
      %get3A_279 = tpu.vector_load %arg6[%get3A, %get3A_278] {strides = array<i32>} : memref<16x16xi32, #tpu.memory_space<vmem>>, vector<16xi32>,
      %mul3A_280 = arith.constant 16 : i32
      %mul3A_281 = arith.muli %scan3A_276, %mul3A_280 : i32
      %add3A_282 = vector.broadcast %mul3A_281 : i32 to vector<16xi32>
      %add3A_283 = arith.addi %iota3A, %add3A_282 : vector<16xi32>
      %gt3A = vector.broadcast %scan3A_239#1 : i32 to vector<16xi32>
      %gt3A_284 = arith.cmpi sgt, %add3A_283, %gt3A : vector<16xi32>
      %jit3A_285 = arith.constant 0 : i32
      %broadcast_in_dim3A_286 = vector.broadcast %jit3A_285 : i32 to vector<16xi32>
      %select_n3A_287 = arith.select %gt3A_284, %get3A_279, %broadcast_in_dim3A_286 : vector<16xi1>, vector<16xi32>
      %reduce_sum3A_288 = arith.constant true
      %reduce_sum3A_289 = vector.broadcast %reduce_sum3A_288 : i1 to vector<16xi1>
      %reduce_sum3A_290 = tpu.scan <sum>, %select_n3A_287 masked %reduce_sum3A_289 : vector<16xi32>, vector<16xi1> -> vector<16xi32>
      %reduce_sum3A_291 = vector.extract %reduce_sum3A_290[15] : i32 from vector<16xi32>
      %add3A_292 = arith.addi %scan3A_277, %reduce_sum3A_291 : i32
      scf.yield %add3A_292 : i32
    }
    %scan3A_246 = arith.constant 16 : i32
    %shift_left3A_247 = arith.constant 8 : i32
    %shift_left3A_248 = arith.shli %or3A_210, %shift_left3A_247 : i32
    %or3A_249 = arith.ori %shift_left3A_248, %scan3A_239#1 : i32
    %xor3A = arith.constant -2147483648 : i32
    %xor3A_250 = arith.xori %or3A_249, %xor3A : i32
    %scan3A_251 = arith.constant 0 : i32
    %scan3A_252 = arith.constant 64 : i32
    %scan3A_253 = arith.addi %scan3A_251, %scan3A_252 : i32
    %scan3A_254 = arith.constant 1 : i32
    %scan3A_255 = scf.for %scan3A_276 = %scan3A_251 to %scan3A_253 step %scan3A_254 iter_args(%scan3A_277 = %broadcast_in_dim3A_59) -> (vector<16xf32>)  : i32 {
      %mul3A_278 = arith.constant 16 : i32
      %mul3A_279 = arith.muli %scan3A_276, %mul3A_278 : i32
      %get3A = arith.index_cast %mul3A_279 : i32 to index
      %get3A_280 = tpu.vector_load %arg4[%get3A] {strides = array<i32>} : memref<1024xf32, #tpu.memory_space<vmem>>, vector<16xf32>,
      %bitcast_convert_type3A = tpu.bitcast %get3A_280 : vector<16xf32> -> vector<16xi32>
      %ge3A = arith.constant 0 : i32
      %ge3A_281 = vector.broadcast %ge3A : i32 to vector<16xi32>
      %ge3A_282 = arith.cmpi sge, %bitcast_convert_type3A, %ge3A_281 : vector<16xi32>
      %xor3A_283 = arith.constant 2147483647 : i32
      %xor3A_284 = vector.broadcast %xor3A_283 : i32 to vector<16xi32>
      %xor3A_285 = arith.xori %bitcast_convert_type3A, %xor3A_284 : vector<16xi32>
      %select_n3A_286 = arith.select %ge3A_282, %bitcast_convert_type3A, %xor3A_285 : vector<16xi1>, vector<16xi32>
      %ge3A_287 = vector.broadcast %xor3A_250 : i32 to vector<16xi32>
      %ge3A_288 = arith.cmpi sge, %select_n3A_286, %ge3A_287 : vector<16xi32>
      %sub3A_289 = vector.broadcast %reduce_max3A_97 : f32 to vector<16xf32>
      %sub3A_290 = arith.subf %get3A_280, %sub3A_289 : vector<16xf32>
      %exp3A = math.exp %sub3A_290 : vector<16xf32>
      %jit3A_291 = arith.constant 0.000000e+00 : f32
      %broadcast_in_dim3A_292 = vector.broadcast %jit3A_291 : f32 to vector<16xf32>
      %select_n3A_293 = arith.select %ge3A_288, %exp3A, %broadcast_in_dim3A_292 : vector<16xi1>, vector<16xf32>
      %add3A_294 = arith.addf %scan3A_277, %select_n3A_293 : vector<16xf32>
      scf.yield %add3A_294 : vector<16xf32>
    }
    %scan3A_256 = arith.constant 64 : i32
    %reduce_sum3A = arith.constant true
    %reduce_sum3A_257 = vector.broadcast %reduce_sum3A : i1 to vector<16xi1>
    %reduce_sum3A_258 = tpu.scan <sum>, %scan3A_255 masked %reduce_sum3A_257 : vector<16xf32>, vector<16xi1> -> vector<16xf32>
    %reduce_sum3A_259 = vector.extract %reduce_sum3A_258[15] : f32 from vector<16xf32>
    %eq3A_260 = arith.constant 0 : i32
    %eq3A_261 = vector.broadcast %eq3A_260 : i32 to vector<16xi32>
    %eq3A_262 = arith.cmpi eq, %iota3A, %eq3A_261 : vector<16xi32>
    %jit3A_263 = arith.constant 0.000000e+00 : f32
    %broadcast_in_dim3A_264 = vector.broadcast %reduce_sum3A_259 : f32 to vector<16xf32>
    %broadcast_in_dim3A_265 = vector.broadcast %jit3A_263 : f32 to vector<16xf32>
    %select_n3A_266 = arith.select %eq3A_262, %broadcast_in_dim3A_264, %broadcast_in_dim3A_265 : vector<16xi1>, vector<16xf32>
    %swap3A_267 = arith.constant 0 : index
    %swap3A_268 = tpu.vector_load %arg8[%swap3A_267] {strides = array<i32>} : memref<16xf32, #tpu.memory_space<vmem>>, vector<16xf32>,
    tpu.vector_store %arg8[%swap3A_267], %select_n3A_266 {strides = array<i32>} : memref<16xf32, #tpu.memory_space<vmem>>, vector<16xf32>,
    %run_scoped3A_269 = arith.constant 1 : i32
    "tpu.region"() ({
      %run_scoped3A_276 = tpu.sem_alloc : memref<!tpu.dma_semaphore, #tpu.memory_space<semaphore_mem>>
      %dma_start3A = arith.constant 0 : i32
      %dma_start3A_277 = tpu.memref_slice %arg12[%run_scoped3A_269, %select_n3A_40, %select_n3A_54, %dma_start3A] : memref<2x2x8x16xf32, #tpu.memory_space<vmem_shared>> -> memref<1x1x1x16xf32, #tpu.memory_space<vmem_shared>>
      %dma_start3A_278 = tpu.memref_squeeze %dma_start3A_277 : memref<1x1x1x16xf32, #tpu.memory_space<vmem_shared>> -> memref<16xf32, #tpu.memory_space<vmem_shared>>
      %dma_start3A_279 = arith.constant 0 : i32
      %dma_start3A_280 = tpu.memref_slice %arg12[%run_scoped3A_269, %select_n3A_40, %select_n3A_54, %dma_start3A_279] : memref<2x2x8x16xf32, #tpu.memory_space<vmem_shared>> -> memref<1x1x1x16xf32, #tpu.memory_space<vmem_shared>>
      %dma_start3A_281 = tpu.memref_squeeze %dma_start3A_280 : memref<1x1x1x16xf32, #tpu.memory_space<vmem_shared>> -> memref<16xf32, #tpu.memory_space<vmem_shared>>
      tpu.enqueue_dma source(%arg8 : memref<16xf32, #tpu.memory_space<vmem>>) target(%dma_start3A_281 : memref<16xf32, #tpu.memory_space<vmem_shared>>) target_semaphore(%run_scoped3A_276 : memref<!tpu.dma_semaphore, #tpu.memory_space<semaphore_mem>>)
      %dma_wait3A = arith.constant 0 : i32
      %dma_wait3A_282 = tpu.memref_slice %arg12[%run_scoped3A_269, %select_n3A_40, %select_n3A_54, %dma_wait3A] : memref<2x2x8x16xf32, #tpu.memory_space<vmem_shared>> -> memref<1x1x1x16xf32, #tpu.memory_space<vmem_shared>>
      %dma_wait3A_283 = tpu.memref_squeeze %dma_wait3A_282 : memref<1x1x1x16xf32, #tpu.memory_space<vmem_shared>> -> memref<16xf32, #tpu.memory_space<vmem_shared>>
      %dma_wait3A_284 = arith.constant 0 : i32
      %dma_wait3A_285 = tpu.memref_slice %arg12[%run_scoped3A_269, %select_n3A_40, %select_n3A_54, %dma_wait3A_284] : memref<2x2x8x16xf32, #tpu.memory_space<vmem_shared>> -> memref<1x1x1x16xf32, #tpu.memory_space<vmem_shared>>
      %dma_wait3A_286 = tpu.memref_squeeze %dma_wait3A_285 : memref<1x1x1x16xf32, #tpu.memory_space<vmem_shared>> -> memref<16xf32, #tpu.memory_space<vmem_shared>>
      tpu.wait_dma2 semaphore(%run_scoped3A_276 : memref<!tpu.dma_semaphore, #tpu.memory_space<semaphore_mem>>) src(%arg8 : memref<16xf32, #tpu.memory_space<vmem>>) dst(%dma_wait3A_286 : memref<16xf32, #tpu.memory_space<vmem_shared>>)
      tpu.yield
    }) : () -> ()
    %barrier3A_270 = arith.constant 0 : index
    tpu.barrier barrier_id(%barrier3A_270)
    %eq3A_271 = arith.constant 0 : i32
    %eq3A_272 = arith.cmpi eq, %select_n3A_54, %eq3A_271 : i32
    %convert_element_type3A_273 = arith.extui %eq3A_272 : i1 to i32
    %cond3A_274 = arith.constant 0 : i32
    %cond3A_275 = arith.cmpi ne, %convert_element_type3A_273, %cond3A_274 : i32
    scf.if %cond3A_275 {
      %run_scoped3A_276 = arith.constant 1 : i32
      "tpu.region"() ({
        %run_scoped3A_301 = tpu.sem_alloc : memref<!tpu.dma_semaphore, #tpu.memory_space<semaphore_mem>>
        %dma_start3A = arith.constant 0 : i32
        %dma_start3A_302 = arith.constant 0 : i32
        %dma_start3A_303 = tpu.memref_slice %arg12[%run_scoped3A_276, %select_n3A_40, %dma_start3A, %dma_start3A_302] : memref<2x2x8x16xf32, #tpu.memory_space<vmem_shared>> -> memref<1x1x8x16xf32, #tpu.memory_space<vmem_shared>>
        %dma_start3A_304 = tpu.memref_squeeze %dma_start3A_303 : memref<1x1x8x16xf32, #tpu.memory_space<vmem_shared>> -> memref<8x16xf32, #tpu.memory_space<vmem_shared>>
        %dma_start3A_305 = arith.constant 0 : i32
        %dma_start3A_306 = arith.constant 0 : i32
        %dma_start3A_307 = tpu.memref_slice %arg12[%run_scoped3A_276, %select_n3A_40, %dma_start3A_305, %dma_start3A_306] : memref<2x2x8x16xf32, #tpu.memory_space<vmem_shared>> -> memref<1x1x8x16xf32, #tpu.memory_space<vmem_shared>>
        %dma_start3A_308 = tpu.memref_squeeze %dma_start3A_307 : memref<1x1x8x16xf32, #tpu.memory_space<vmem_shared>> -> memref<8x16xf32, #tpu.memory_space<vmem_shared>>
        tpu.enqueue_dma source(%dma_start3A_308 : memref<8x16xf32, #tpu.memory_space<vmem_shared>>) target(%arg9 : memref<8x16xf32, #tpu.memory_space<vmem>>) target_semaphore(%run_scoped3A_301 : memref<!tpu.dma_semaphore, #tpu.memory_space<semaphore_mem>>)
        %dma_wait3A = arith.constant 0 : i32
        %dma_wait3A_309 = arith.constant 0 : i32
        %dma_wait3A_310 = tpu.memref_slice %arg12[%run_scoped3A_276, %select_n3A_40, %dma_wait3A, %dma_wait3A_309] : memref<2x2x8x16xf32, #tpu.memory_space<vmem_shared>> -> memref<1x1x8x16xf32, #tpu.memory_space<vmem_shared>>
        %dma_wait3A_311 = tpu.memref_squeeze %dma_wait3A_310 : memref<1x1x8x16xf32, #tpu.memory_space<vmem_shared>> -> memref<8x16xf32, #tpu.memory_space<vmem_shared>>
        %dma_wait3A_312 = arith.constant 0 : i32
        %dma_wait3A_313 = arith.constant 0 : i32
        %dma_wait3A_314 = tpu.memref_slice %arg12[%run_scoped3A_276, %select_n3A_40, %dma_wait3A_312, %dma_wait3A_313] : memref<2x2x8x16xf32, #tpu.memory_space<vmem_shared>> -> memref<1x1x8x16xf32, #tpu.memory_space<vmem_shared>>
        %dma_wait3A_315 = tpu.memref_squeeze %dma_wait3A_314 : memref<1x1x8x16xf32, #tpu.memory_space<vmem_shared>> -> memref<8x16xf32, #tpu.memory_space<vmem_shared>>
        tpu.wait_dma2 semaphore(%run_scoped3A_301 : memref<!tpu.dma_semaphore, #tpu.memory_space<semaphore_mem>>) src(%dma_wait3A_315 : memref<8x16xf32, #tpu.memory_space<vmem_shared>>) dst(%arg9 : memref<8x16xf32, #tpu.memory_space<vmem>>)
        tpu.yield
      }) : () -> ()
      %scan3A_277 = arith.constant 0 : i32
      %scan3A_278 = arith.constant 8 : i32
      %scan3A_279 = arith.addi %scan3A_277, %scan3A_278 : i32
      %scan3A_280 = arith.constant 1 : i32
      %scan3A_281 = scf.for %scan3A_301 = %scan3A_277 to %scan3A_279 step %scan3A_280 iter_args(%scan3A_302 = %broadcast_in_dim3A_59) -> (vector<16xf32>)  : i32 {
        %get3A = arith.index_cast %scan3A_301 : i32 to index
        %get3A_303 = arith.constant 0 : index
        %get3A_304 = tpu.vector_load %arg9[%get3A, %get3A_303] {strides = array<i32>} : memref<8x16xf32, #tpu.memory_space<vmem>>, vector<16xf32>,
        %add3A_305 = arith.addf %scan3A_302, %get3A_304 : vector<16xf32>
        scf.yield %add3A_305 : vector<16xf32>
      }
      %scan3A_282 = arith.constant 8 : i32
      %reduce_sum3A_283 = arith.constant true
      %reduce_sum3A_284 = vector.broadcast %reduce_sum3A_283 : i1 to vector<16xi1>
      %reduce_sum3A_285 = tpu.scan <sum>, %scan3A_281 masked %reduce_sum3A_284 : vector<16xf32>, vector<16xi1> -> vector<16xf32>
      %reduce_sum3A_286 = vector.extract %reduce_sum3A_285[15] : f32 from vector<16xf32>
      %broadcast_in_dim3A_287 = vector.broadcast %xor3A_250 : i32 to vector<16xi32>
      %bitcast_convert_type3A = tpu.bitcast %broadcast_in_dim3A_287 : vector<16xi32> -> vector<16xf32>
      %eq3A_288 = arith.constant 0 : i32
      %eq3A_289 = vector.broadcast %eq3A_288 : i32 to vector<16xi32>
      %eq3A_290 = arith.cmpi eq, %iota3A, %eq3A_289 : vector<16xi32>
      %eq3A_291 = arith.constant 1 : i32
      %eq3A_292 = vector.broadcast %eq3A_291 : i32 to vector<16xi32>
      %eq3A_293 = arith.cmpi eq, %iota3A, %eq3A_292 : vector<16xi32>
      %broadcast_in_dim3A_294 = vector.broadcast %reduce_max3A_97 : f32 to vector<16xf32>
      %broadcast_in_dim3A_295 = vector.broadcast %reduce_sum3A_286 : f32 to vector<16xf32>
      %select_n3A_296 = arith.select %eq3A_293, %broadcast_in_dim3A_294, %broadcast_in_dim3A_295 : vector<16xi1>, vector<16xf32>
      %select_n3A_297 = arith.select %eq3A_290, %bitcast_convert_type3A, %select_n3A_296 : vector<16xi1>, vector<16xf32>
      %swap3A_298 = arith.constant 0 : index
      %swap3A_299 = tpu.vector_load %arg10[%swap3A_298] {strides = array<i32>} : memref<16xf32, #tpu.memory_space<vmem>>, vector<16xf32>,
      tpu.vector_store %arg10[%swap3A_298], %select_n3A_297 {strides = array<i32>} : memref<16xf32, #tpu.memory_space<vmem>>, vector<16xf32>,
      %run_scoped3A_300 = arith.constant 0 : i32
      "tpu.region"() ({
        %run_scoped3A_301 = tpu.sem_alloc : memref<!tpu.dma_semaphore, #tpu.memory_space<semaphore_mem>>
        %dma_start3A = arith.constant 0 : i32
        %dma_start3A_302 = tpu.memref_slice %arg3[%add3A, %run_scoped3A_300, %dma_start3A] : memref<4x1x16xf32, #tpu.memory_space<hbm>> -> memref<1x1x16xf32, #tpu.memory_space<hbm>>
        %dma_start3A_303 = tpu.memref_squeeze %dma_start3A_302 : memref<1x1x16xf32, #tpu.memory_space<hbm>> -> memref<16xf32, #tpu.memory_space<hbm>>
        %dma_start3A_304 = arith.constant 0 : i32
        %dma_start3A_305 = tpu.memref_slice %arg3[%add3A, %run_scoped3A_300, %dma_start3A_304] : memref<4x1x16xf32, #tpu.memory_space<hbm>> -> memref<1x1x16xf32, #tpu.memory_space<hbm>>
        %dma_start3A_306 = tpu.memref_squeeze %dma_start3A_305 : memref<1x1x16xf32, #tpu.memory_space<hbm>> -> memref<16xf32, #tpu.memory_space<hbm>>
        tpu.enqueue_dma source(%arg10 : memref<16xf32, #tpu.memory_space<vmem>>) target(%dma_start3A_306 : memref<16xf32, #tpu.memory_space<hbm>>) target_semaphore(%run_scoped3A_301 : memref<!tpu.dma_semaphore, #tpu.memory_space<semaphore_mem>>)
        %dma_wait3A = arith.constant 0 : i32
        %dma_wait3A_307 = tpu.memref_slice %arg3[%add3A, %run_scoped3A_300, %dma_wait3A] : memref<4x1x16xf32, #tpu.memory_space<hbm>> -> memref<1x1x16xf32, #tpu.memory_space<hbm>>
        %dma_wait3A_308 = tpu.memref_squeeze %dma_wait3A_307 : memref<1x1x16xf32, #tpu.memory_space<hbm>> -> memref<16xf32, #tpu.memory_space<hbm>>
        %dma_wait3A_309 = arith.constant 0 : i32
        %dma_wait3A_310 = tpu.memref_slice %arg3[%add3A, %run_scoped3A_300, %dma_wait3A_309] : memref<4x1x16xf32, #tpu.memory_space<hbm>> -> memref<1x1x16xf32, #tpu.memory_space<hbm>>
        %dma_wait3A_311 = tpu.memref_squeeze %dma_wait3A_310 : memref<1x1x16xf32, #tpu.memory_space<hbm>> -> memref<16xf32, #tpu.memory_space<hbm>>
        tpu.wait_dma2 semaphore(%run_scoped3A_301 : memref<!tpu.dma_semaphore, #tpu.memory_space<semaphore_mem>>) src(%arg10 : memref<16xf32, #tpu.memory_space<vmem>>) dst(%dma_wait3A_311 : memref<16xf32, #tpu.memory_space<hbm>>)
        tpu.yield
      }) : () -> ()
    } else {
    }
    return
  }
}

module attributes {stable_mosaic.version = 14 : i64} {
  func.func @_apply_kernel(%arg0: i32, %arg1: i32, %arg2: memref<1x1024x1024xf32, #tpu.memory_space<vmem>>, %arg3: memref<1x1024xf32, #tpu.memory_space<vmem>>, %arg4: memref<1x1x16xf32, #tpu.memory_space<vmem>>, %arg5: memref<1x1024x1024xf32, #tpu.memory_space<vmem>>) attributes {dimension_semantics = [#tpu.dimension_semantics<parallel>, #tpu.dimension_semantics<parallel>], iteration_bounds = array<i64: 4, 8>, scalar_prefetch = 0 : i64, scratch_operands = 0 : i64, tpu.core_type = #tpu.core_type<tc>, window_params = [{transform_indices = @transform_0, window_bounds = array<i64: 1, 1024, 1024>}, {pipeline_mode = #tpu.pipeline_mode<synchronous>, transform_indices = @transform_1, window_bounds = array<i64: 1, 1024>}, {transform_indices = @transform_2, window_bounds = array<i64: 1, 1, 16>}, {transform_indices = @transform_3, window_bounds = array<i64: 1, 1024, 1024>}]} {
    %get3A = arith.constant 0 : index
    %get3A_0 = arith.constant 0 : index
    %get3A_1 = arith.constant 0 : index
    %get3A_2 = vector.load %arg2[%get3A, %get3A_0, %get3A_1] : memref<1x1024x1024xf32, #tpu.memory_space<vmem>>, vector<1x1024x1024xf32>
    %get3A_3 = vector.shape_cast %get3A_2 : vector<1x1024x1024xf32> to vector<1024x1024xf32>
    %get3A_4 = arith.constant 0 : index
    %get3A_5 = arith.constant 0 : index
    %get3A_6 = vector.load %arg3[%get3A_4, %get3A_5] : memref<1x1024xf32, #tpu.memory_space<vmem>>, vector<1x1024xf32>
    %dot_general3A = arith.constant dense<0.000000e+00> : vector<1024x1xf32>
    %dot_general3A_7 = tpu.matmul %get3A_3, %get3A_6, %dot_general3A {dimension_numbers = #tpu.dot_dimension_numbers<[1], [1], [0], [0], [0, 0, 1, 0], [], []>, transpose_lhs_hint = false} : vector<1024x1024xf32>, vector<1x1024xf32>, vector<1024x1xf32> -> vector<1024x1xf32>
    %get3A_8 = arith.constant 0 : index
    %get3A_9 = arith.constant 0 : index
    %get3A_10 = arith.constant 0 : index
    %get3A_11 = vector.load %arg4[%get3A_8, %get3A_9, %get3A_10] : memref<1x1x16xf32, #tpu.memory_space<vmem>>, vector<1x1x16xf32>
    %get3A_12 = vector.shape_cast %get3A_11 : vector<1x1x16xf32> to vector<1x16xf32>
    %slice3A = vector.extract_strided_slice %get3A_12 {offsets = [0, 0], sizes = [1, 1], strides = [1, 1]} : vector<1x16xf32> to vector<1x1xf32>
    %bitcast_convert_type3A = tpu.bitcast %slice3A : vector<1x1xf32> -> vector<1x1xi32>
    %slice3A_13 = vector.extract_strided_slice %get3A_12 {offsets = [0, 1], sizes = [1, 1], strides = [1, 1]} : vector<1x16xf32> to vector<1x1xf32>
    %slice3A_14 = vector.extract_strided_slice %get3A_12 {offsets = [0, 2], sizes = [1, 1], strides = [1, 1]} : vector<1x16xf32> to vector<1x1xf32>
    %bitcast_convert_type3A_15 = tpu.bitcast %dot_general3A_7 : vector<1024x1xf32> -> vector<1024x1xi32>
    %ge3A = arith.constant 0 : i32
    %ge3A_16 = vector.broadcast %ge3A : i32 to vector<1024x1xi32>
    %ge3A_17 = arith.cmpi sge, %bitcast_convert_type3A_15, %ge3A_16 : vector<1024x1xi32>
    %xor3A = arith.constant 2147483647 : i32
    %xor3A_18 = vector.broadcast %xor3A : i32 to vector<1024x1xi32>
    %xor3A_19 = arith.xori %bitcast_convert_type3A_15, %xor3A_18 : vector<1024x1xi32>
    %select_n3A = arith.select %ge3A_17, %bitcast_convert_type3A_15, %xor3A_19 : vector<1024x1xi1>, vector<1024x1xi32>
    %ge3A_20 = vector.broadcast %bitcast_convert_type3A : vector<1x1xi32> to vector<1024x1xi32>
    %ge3A_21 = arith.cmpi sge, %select_n3A, %ge3A_20 : vector<1024x1xi32>
    %sub3A = vector.broadcast %slice3A_13 : vector<1x1xf32> to vector<1024x1xf32>
    %sub3A_22 = arith.subf %dot_general3A_7, %sub3A : vector<1024x1xf32>
    %exp3A = math.exp %sub3A_22 : vector<1024x1xf32>
    %div3A = vector.broadcast %slice3A_14 : vector<1x1xf32> to vector<1024x1xf32>
    %div3A_23 = arith.divf %exp3A, %div3A : vector<1024x1xf32>
    %mul3A = vector.broadcast %div3A_23 : vector<1024x1xf32> to vector<1024x1024xf32>
    %mul3A_24 = arith.mulf %mul3A, %get3A_3 : vector<1024x1024xf32>
    %sub3A_25 = arith.constant 1.000000e+00 : f32
    %sub3A_26 = vector.broadcast %sub3A_25 : f32 to vector<1024x1xf32>
    %sub3A_27 = arith.subf %sub3A_26, %div3A_23 : vector<1024x1xf32>
    %mul3A_28 = vector.broadcast %sub3A_27 : vector<1024x1xf32> to vector<1024x1024xf32>
    %mul3A_29 = arith.mulf %mul3A_28, %get3A_3 : vector<1024x1024xf32>
    %add3A = arith.addf %mul3A_24, %mul3A_29 : vector<1024x1024xf32>
    %broadcast_in_dim3A = vector.shape_cast %ge3A_21 : vector<1024x1xi1> to vector<1024x1xi1>
    %broadcast_in_dim3A_30 = vector.broadcast %broadcast_in_dim3A : vector<1024x1xi1> to vector<1024x1024xi1>
    %select_n3A_31 = arith.select %broadcast_in_dim3A_30, %add3A, %get3A_3 : vector<1024x1024xi1>, vector<1024x1024xf32>
    %swap3A = arith.constant 0 : index
    %swap3A_32 = arith.constant 0 : index
    %swap3A_33 = arith.constant 0 : index
    %swap3A_34 = vector.load %arg5[%swap3A, %swap3A_32, %swap3A_33] : memref<1x1024x1024xf32, #tpu.memory_space<vmem>>, vector<1x1024x1024xf32>
    %swap3A_35 = vector.shape_cast %swap3A_34 : vector<1x1024x1024xf32> to vector<1024x1024xf32>
    %swap3A_36 = vector.shape_cast %select_n3A_31 : vector<1024x1024xf32> to vector<1x1024x1024xf32>
    tpu.vector_store %arg5[%swap3A, %swap3A_32, %swap3A_33], %swap3A_36 {strides = array<i32>} : memref<1x1024x1024xf32, #tpu.memory_space<vmem>>, vector<1x1024x1024xf32>,
    return
  }
  func.func @transform_0(%arg0: i32, %arg1: i32) -> (i32, i32, i32) {
    %c0_i32 = arith.constant 0 : i32
    %c0_i32_0 = arith.constant 0 : i32
    return %arg0, %arg1, %c0_i32 : i32, i32, i32
  }
  func.func @transform_1(%arg0: i32, %arg1: i32) -> (i32, i32) {
    %c0_i32 = arith.constant 0 : i32
    %c0_i32_0 = arith.constant 0 : i32
    %c0_i32_1 = arith.constant 0 : i32
    return %c0_i32, %c0_i32_0 : i32, i32
  }
  func.func @transform_2(%arg0: i32, %arg1: i32) -> (i32, i32, i32) {
    %c0_i32 = arith.constant 0 : i32
    %c0_i32_0 = arith.constant 0 : i32
    %c0_i32_1 = arith.constant 0 : i32
    return %arg0, %c0_i32, %c0_i32_0 : i32, i32, i32
  }
  func.func @transform_3(%arg0: i32, %arg1: i32) -> (i32, i32, i32) {
    %c0_i32 = arith.constant 0 : i32
    %c0_i32_0 = arith.constant 0 : i32
    return %arg0, %arg1, %c0_i32 : i32, i32, i32
  }
}

module attributes {stable_mosaic.version = 14 : i64} {
  func.func @_scores_kernel(%arg0: i32, %arg1: i32, %arg2: memref<1x2048x1024xf32, #tpu.memory_space<vmem>>, %arg3: memref<1x1024xf32, #tpu.memory_space<vmem>>, %arg4: memref<1x1x2048xf32, #tpu.memory_space<vmem>>) attributes {dimension_semantics = [#tpu.dimension_semantics<parallel>, #tpu.dimension_semantics<parallel>], iteration_bounds = array<i64: 4, 4>, scalar_prefetch = 0 : i64, scratch_operands = 0 : i64, tpu.core_type = #tpu.core_type<tc>, window_params = [{transform_indices = @transform_0, window_bounds = array<i64: 1, 2048, 1024>}, {pipeline_mode = #tpu.pipeline_mode<synchronous>, transform_indices = @transform_1, window_bounds = array<i64: 1, 1024>}, {transform_indices = @transform_2, window_bounds = array<i64: 1, 1, 2048>}]} {
    %get3A = arith.constant 0 : index
    %get3A_0 = arith.constant 0 : index
    %get3A_1 = arith.constant 0 : index
    %get3A_2 = vector.load %arg2[%get3A, %get3A_0, %get3A_1] : memref<1x2048x1024xf32, #tpu.memory_space<vmem>>, vector<1x2048x1024xf32>
    %get3A_3 = vector.shape_cast %get3A_2 : vector<1x2048x1024xf32> to vector<2048x1024xf32>
    %get3A_4 = arith.constant 0 : index
    %get3A_5 = arith.constant 0 : index
    %get3A_6 = vector.load %arg3[%get3A_4, %get3A_5] : memref<1x1024xf32, #tpu.memory_space<vmem>>, vector<1x1024xf32>
    %dot_general3A = arith.constant dense<0.000000e+00> : vector<1x2048xf32>
    %dot_general3A_7 = tpu.matmul %get3A_6, %get3A_3, %dot_general3A {dimension_numbers = #tpu.dot_dimension_numbers<[1], [1], [0], [0], [0, 0, 1, 0], [], []>, transpose_lhs_hint = false} : vector<1x1024xf32>, vector<2048x1024xf32>, vector<1x2048xf32> -> vector<1x2048xf32>
    %reshape3A = vector.shape_cast %dot_general3A_7 : vector<1x2048xf32> to vector<1x1x2048xf32>
    %swap3A = arith.constant 0 : index
    %swap3A_8 = arith.constant 0 : index
    %swap3A_9 = arith.constant 0 : index
    %swap3A_10 = vector.load %arg4[%swap3A, %swap3A_8, %swap3A_9] : memref<1x1x2048xf32, #tpu.memory_space<vmem>>, vector<1x1x2048xf32>
    tpu.vector_store %arg4[%swap3A, %swap3A_8, %swap3A_9], %reshape3A {strides = array<i32>} : memref<1x1x2048xf32, #tpu.memory_space<vmem>>, vector<1x1x2048xf32>,
    return
  }
  func.func @transform_0(%arg0: i32, %arg1: i32) -> (i32, i32, i32) {
    %c0_i32 = arith.constant 0 : i32
    %c0_i32_0 = arith.constant 0 : i32
    return %arg0, %arg1, %c0_i32 : i32, i32, i32
  }
  func.func @transform_1(%arg0: i32, %arg1: i32) -> (i32, i32) {
    %c0_i32 = arith.constant 0 : i32
    %c0_i32_0 = arith.constant 0 : i32
    %c0_i32_1 = arith.constant 0 : i32
    return %c0_i32, %c0_i32_0 : i32, i32
  }
  func.func @transform_2(%arg0: i32, %arg1: i32) -> (i32, i32, i32) {
    %c0_i32 = arith.constant 0 : i32
    %c0_i32_0 = arith.constant 0 : i32
    return %arg0, %c0_i32, %arg1 : i32, i32, i32
  }
}

</mosaic_0001>

<sc_bundles>
// kernel: kernel.5.cloned.1.call-start
scs
__scs_entry_jumppad:
0x0: {  	(pc) =	sbr.rel $0x88, $3  }
0x1: {  	(tag) =	ssettag $0x0;
	lr =	simm.s32 $0x1  }
0x2: {  	[smem:$0x3F9F] =	sst lr;
	_ =	strace $0xD0000000  }
0x3: {  	_ = 	snop  }
0x4: {  	_ = 	snop  }
0x5: {  	_ = 	snop  }
0x6: {  	_ = 	snop  }
0x7: {  	_ = 	snop  }
__scs_overlays_trampoline_lowered:
0x8: {  	[smem:$0x3FAE] =	sst s0  }
0x9: {  	[smem:$0x3FAF] =	sst s1  }
0xa: {  	[smem:$0x3FB0] =	sst s2  }
0xb: {  	[smem:$0x3FB1] =	sst s3  }
0xc: {  	[smem:$0x3FB2] =	sst s4  }
0xd: {  	[smem:$0x3FB3] =	sst s5  }
0xe: {  	[smem:$0x3FB4] =	sst s6  }
0xf: {  	[smem:$0x3FB5] =	sst s7  }
0x10: {  	[smem:$0x3FB6] =	sst s8  }
0x11: {  	[smem:$0x3FB7] =	sst s9;
	s0 =	simm.s32 @!p0 $0x0  }
0x12: {  	s1 =	sld [smem:$0x3F9D];
	s0 =	simm.s32 @p0 $0x1  }
0x13: {  	[smem:$0x3FB8] =	sst s0;
	s0 =	simm.s32 @!p1 $0x0  }
0x14: {  	s2 =	sld [smem:$0x3F9C];
	s0 =	simm.s32 @p1 $0x1  }
0x15: {  	[smem:$0x3FB9] =	sst s0;
	s0 =	simm.s32 @!p2 $0x0  }
0x16: {  	s3 =	sld [smem:$0x3FDB];
	s0 =	simm.s32 @p2 $0x1  }
0x17: {  	s4 =	simm.s32 $0x1BF5;
	[smem:$0x3FBB] =	sst s0  }
0x18: {  	s0 =	sld [smem:$0x3F9E];
	_ =	swait.ge [sflag:s4], $0x0  }
0x19: {  	s7 =	sld [smem:$0x3F9F]  }
0x1a: {  	s8 =	sadd.s32 $0xFFFFE003, lr  }
0x1b: {  	s9 =	sadd.s32 $0xFFFFFEF7, lr;
	s5 =	simm.s32 $0xFFFFFFFF;
	p2 =	slt.u32 s8, $0xFFFFF086  }
0x1c: {  	p1 =	slt.u32 s9, $0xF7A;
	s5 =	simm.s32 @!p2 $0x0  }
0x1d: {  	s5 =	simm.s32 @p1 $0x1;
	p0 =	seq.s32 s7, s2  }
0x1e: {  	s7 =	smul.u32 @!p0 $0xF7A, s2;
	p2 =	seq.s32 @!p0 s5, $0x0  }
0x1f: {  	s9 =	smul.u32 $0xF7A, s1;
	s8 =	simm.s32 @!p0 $0x1BF5;
	p2 =	por !p2, p0  }
0x20: {  	[sflag:s8] =	ssyncset.s32 @!p0 $0xFFFFF086;
	s6 =	sadd.s32 @!p0 s3, s7;
	s7 =	simm.s32 @!p0 $0x108  }
0x21: {  	s3 =	sadd.s32 s3, s9;
	s6 =	sadd.s32 @!p0 $0x88, s6;
	s7 =	simm.s32 @p2 $0x1082  }
0x22: {  	[simem:s7], [sflag:s8] =	dma.local @!p0 [hbm:s6], $0xF7A  }
0x23: {  	s9 =	sor.u32 $0xD0000000, s2;
	s6 =	simm.s32 $0x108;
	_ =	swait.ge @!p0 [sflag:s8], $0x0  }
0x24: {  	s3 =	sadd.s32 $0x88, s3;
	s6 =	simm.s32 @!p1 $0x1082;
	[sflag:s4] =	ssyncset.s32 $0xFFFFF086  }
0x25: {  	[simem:s6], [sflag:s4] =	dma.local [hbm:s3], $0xF7A  }
0x26: {  	[smem:$0x3F9F] =	sst s1;
	(tag) =	ssettag s2;
	_ =	strace s9  }
0x27: {  	s1 =	sld [smem:$0x3FAF]  }
0x28: {  	s2 =	sld [smem:$0x3FB0]  }
0x29: {  	s4 =	sld [smem:$0x3FB2]  }
0x2a: {  	p0 =	seq.s32 s5, $0x0;
	s5 =	sld [smem:$0x3FB3]  }
0x2b: {  	s6 =	sld [smem:$0x3FB4]  }
0x2c: {  	s7 =	sld [smem:$0x3FB5]  }
0x2d: {  	s3 =	simm.s32 $0x108;
	s8 =	sld [smem:$0x3FB6]  }
0x2e: {  	s3 =	simm.s32 @!p0 $0x1082;
	s9 =	sld [smem:$0x3FB7]  }
0x2f: {  	lr =	sadd.s32 s0, s3;
	s0 =	sld [smem:$0x3FAE]  }
0x30: {  	s3 =	sld [smem:$0x3FB1]  }
0x31: {  	[smem:$0x3FBA] =	sst s10  }
0x32: {  	s10 =	sld [smem:$0x3FB8];
	_ =	sdelay $0x3  }
0x33: {  	p0 =	seq.s32 s10, $0x1;
	s10 =	sld [smem:$0x3FBA];
	_ =	sdelay $0x3  }
0x34: {  	[smem:$0x3FBA] =	sst s10  }
0x35: {  	s10 =	sld [smem:$0x3FB9];
	_ =	sdelay $0x3  }
0x36: {  	p1 =	seq.s32 s10, $0x1;
	s10 =	sld [smem:$0x3FBA];
	_ =	sdelay $0x3  }
0x37: {  	[smem:$0x3FBA] =	sst s10  }
0x38: {  	s10 =	sld [smem:$0x3FBB]  }
0x39: {  	_ = 	snop;
	(pc) =	sbr.ind lr, $3  }
0x3a: {  	_ = 	snop  }
0x3b: {  	_ = 	snop  }
0x3c: {  	p2 =	seq.s32 s10, $0x1;
	s10 =	sld [smem:$0x3FBA]  }
0x3d: {  	_ =	shalt  }
0x3e: {  	_ =	shalt  }
0x3f: {  	_ =	shalt  }
0x40: {  	_ =	shalt  }
0x41: {  	_ =	shalt  }
0x42: {  	_ =	shalt  }
0x43: {  	_ =	shalt  }
0x44: {  	_ =	shalt  }
0x45: {  	_ =	shalt  }
0x46: {  	_ =	shalt  }
0x47: {  	_ =	shalt  }
0x48: {  	_ =	shalt  }
0x49: {  	_ =	shalt  }
0x4a: {  	_ =	shalt  }
0x4b: {  	_ =	shalt  }
0x4c: {  	_ =	shalt  }
0x4d: {  	_ =	shalt  }
0x4e: {  	_ =	shalt  }
0x4f: {  	_ =	shalt  }
0x50: {  	_ =	shalt  }
0x51: {  	_ =	shalt  }
0x52: {  	_ =	shalt  }
0x53: {  	_ =	shalt  }
0x54: {  	_ =	shalt  }
0x55: {  	_ =	shalt  }
0x56: {  	_ =	shalt  }
0x57: {  	_ =	shalt  }
0x58: {  	_ =	shalt  }
0x59: {  	_ =	shalt  }
0x5a: {  	_ =	shalt  }
0x5b: {  	_ =	shalt  }
0x5c: {  	_ =	shalt  }
0x5d: {  	_ =	shalt  }
0x5e: {  	_ =	shalt  }
0x5f: {  	_ =	shalt  }
0x60: {  	_ =	shalt  }
0x61: {  	_ =	shalt  }
0x62: {  	_ =	shalt  }
0x63: {  	_ =	shalt  }
0x64: {  	_ =	shalt  }
0x65: {  	_ =	shalt  }
0x66: {  	_ =	shalt  }
0x67: {  	_ =	shalt  }
0x68: {  	_ =	shalt  }
0x69: {  	_ =	shalt  }
0x6a: {  	_ =	shalt  }
0x6b: {  	_ =	shalt  }
0x6c: {  	_ =	shalt  }
0x6d: {  	_ =	shalt  }
0x6e: {  	_ =	shalt  }
0x6f: {  	_ =	shalt  }
0x70: {  	_ =	shalt  }
0x71: {  	_ =	shalt  }
0x72: {  	_ =	shalt  }
0x73: {  	_ =	shalt  }
0x74: {  	_ =	shalt  }
0x75: {  	_ =	shalt  }
0x76: {  	_ =	shalt  }
0x77: {  	_ =	shalt  }
0x78: {  	_ =	shalt  }
0x79: {  	_ =	shalt  }
0x7a: {  	_ =	shalt  }
0x7b: {  	_ =	shalt  }
0x7c: {  	_ =	shalt  }
0x7d: {  	_ =	shalt  }
0x7e: {  	_ =	shalt  }
0x7f: {  	_ =	shalt  }
0x80: {  	_ =	shalt  }
0x81: {  	_ =	shalt  }
0x82: {  	_ =	shalt  }
0x83: {  	_ =	shalt  }
0x84: {  	_ =	shalt  }
0x85: {  	_ =	shalt  }
0x86: {  	_ =	shalt  }
0x87: {  	_ =	shalt  }
.Lfunc_end0:
.L_simem_size_0:
called_computation_lowered:
.L_overlay_start_0:
0x88: {  	s2 =	sld [smem:$0x3FD9]  }
0x89: {  	s3 =	sld [smem:$0x3FFE];
	_ =	sdelay $0x1  }
0x8a: {  	s1 =	srdreg.scid  }
0x8b: {  	s0 =	sand.u32 $0x1, s1  }
0x8c: {  	s17 =	sshll.u32 s0, $0xA;
	s2 =	sadd.s32 s3, s2  }
0x8d: {  	s2 =	sadd.s32 s2, s17  }
0x8e: {  	[smem:$0x3FC6] =	sst s2  }
0x8f: {  	_ = 	snop  }
0x90: {  	s2 =	sld [smem:$0x3FD0];
	(tm) =	ssettm $0x1  }
0x91: {  	s18 =	sld [smem:$0x3FFB];
	_ =	sdelay $0x3  }
0x92: {  	_ =	strace s18  }
0x93: {  	s3 =	sld [smem:$0x3FFC];
	_ =	sdelay $0x3  }
0x94: {  	_ =	strace s3  }
0x95: {  	s3 =	sld [smem:$0x3FFD];
	_ =	sdelay $0x3  }
0x96: {  	_ =	strace s3  }
0x97: {  	_ =	strace $0x8FFFFFFF  }
0x98: {  	s19 =	sld [smem:$0x3FDB];
	_ =	sdelay $0x1  }
0x99: {  	s4 =	simm.s32 $_scs_section_size  }
0x9a: {  	s5 =	simm.s32 $_size__tile_overlayer_lowered;
	s6 =	simm.s32 $_tile_overlayer_lowered  }
0x9b: {  	s22 =	simm.s32 $0x1BFF;
	s21 =	sshll.u32 s6, $0x1;
	s3 =	sadd.s32 s4, s19  }
0x9c: {  	s7 =	simm.s32 $0x0;
	s20 =	sshll.u32 s5, $0x1;
	s5 =	sadd.s32 s21, s3  }
0x9d: {  	[timem:s7], [sflag:s22] =	dma.local [hbm:s5], s20  }
0x9e: {  	_ =	swait.ge [sflag:s22], s20  }
0x9f: {  	s4 =	ssub.s32 $0x0, s20;
	[sflag:s22] =	ssyncset.done $0x0  }
0xa0: {  	[sflag:s22] =	ssyncadd.s32 s4;
	_ =	sdelay $0x1  }
0xa1: {  	s23 =	simm.s32 $0x1B8B  }
0xa2: {  	_ =	swait.ge [sflag:s23], $0x1  }
0xa3: {  	[sflag:s23] =	ssyncset.done $0x0  }
0xa4: {  	s25 =	simm.s32 $0x1B8E;
	s24 =	sld [smem:$0x3FFE];
	[sflag:s23] =	ssyncadd.s32 $0xFFFFFFFF  }
0xa5: {  	s26 =	simm.s32 $execute0_lowered;
	[smem:$0x3FD2] =	sst s25  }
0xa6: {  	s5 =	sshll.u32 s26, $0x1;
	_ =	strace $0x80000046;
	[dreg:$0x1] =	wrdreg $0xFFFFFFFF  }
0xa7: {  	s28 =	simm.s32 $_size_execute0_lowered;
	s3 =	sadd.s32 s3, s5;
	[dreg:$0x0] =	wrdreg $0x0  }
0xa8: {  	s5 =	sshll.u32 s28, $0x1;
	[dreg:$0x2] =	wrdreg s3  }
0xa9: {  	[dreg:$0x3] =	wrdreg s5  }
0xaa: {  	[dreg:$0x4] =	wrdreg $0xC0  }
0xab: {  	_ =	task [dreg:s7], $0x5FFFF  }
0xac: {  	[dreg:$0x1] =	wrdreg $0xFFFFFFFF  }
0xad: {  	[dreg:$0x0] =	wrdreg $0x60  }
0xae: {  	[dreg:$0x2] =	wrdreg s2  }
0xaf: {  	[dreg:$0x3] =	wrdreg s24  }
0xb0: {  	[dreg:$0x4] =	wrdreg $0x19800  }
0xb1: {  	[dreg:$0x5] =	wrdreg $0x1A000  }
0xb2: {  	[dreg:$0x6] =	wrdreg $0x9  }
0xb3: {  	_ =	task.clear_ibuf [dreg:s7], $0x7FFFF;
	_ =	strace $0x90000046  }
0xb4: {  	s29 =	simm.s32 $0x9;
	_ =	strace $0x80000048  }
0xb5: {  	_ =	swait.ge [sflag:s29], $0x1  }
0xb6: {  	[sflag:s29] =	ssyncadd.s32 $0xFFFFFFFF  }
0xb7: {  	_ =	strace $0x90000048  }
0xb8: {  	_ =	sfence  }
0xb9: {  	s30 =	sld [smem:$0x0];
	_ =	sdelay $0x2  }
0xba: {  	s31 =	sshll.u32 s1, $0xD;
	s1 =	sshrl.u32 s1, $0x2  }
0xbb: {  	s3 =	sand.u32 $0x4000, s31;
	s1 =	sadd.s32 s1, s30  }
0xbc: {  	s0 =	sor.u32 s3, s0;
	s1 =	sshll.u32 s1, $0x11  }
0xbd: {  	s0 =	sor.u32 s1, s0  }
0xbe: {  	s0 =	sadd.s32 $0x8F2B, s0  }
0xbf: {  	[sflag:s0] =	ssyncadd.remote.s32 $0x1  }
0xc0: {  	_ =	sfence.sel $0xFFFF  }
0xc1: {  	[dreg:$0x0] =	wrdreg $0xFFFFFFFF;
	(pc) =	sbr.abs _section_cstart, $3  }
0xc2: {  	[dreg:$0x1] =	wrdreg $0xFFFFFFFF  }
0xc3: {  	_ =	task.clear_ibuf [dreg:s7], $0x2FFFF;
	_ =	strace $0x9FFFFFFF  }
0xc4: {  	(tm) =	ssettm $0x7FFFFFFF  }
0xc5: {  	_ =	shalt  }
tec
execute0_lowered:
.L_overlay_start_1:
0x0: {  	(tag) =	ssettag $0x1  }
0x1: {  	s1 =	rddreg [dreg:$0x0]  }
0x2: {  	s2 =	rddreg [dreg:$0x1]  }
0x3: {  	s3 =	srdreg.scid;
	s0 =	rddreg [dreg:$0x2]  }
0x4: {  	s4 =	stileid.u32;
	s5 =	rddreg [dreg:$0x3];
	s8 =	simm.s32 $0x0  }
0x5: {  	s28 =	simm.s32 $0xC00;
	s29 =	simm.s32 $0x0;
	s3 =	sand.u32 $0x1, s3  }
0x6: {  	s7 =	sshrl.u32 s4, $0x3;
	[smem:$0x7FF] =	sst s8;
	s9 =	sadd.s32 $0x800, s0  }
0x7: {  	s17 =	sadd.s32 $0x1000, s0;
	_ =	strace $0x80000047;
	[dreg:$0x5] =	wrdreg s9  }
0x8: {  	s13 =	sand.u32 $0x7, s4;
	s18 =	sadd.s32 $0x1800, s0;
	[dreg:$0x6] =	wrdreg s17  }
0x9: {  	s19 =	sadd.s32 $0x2000, s0;
	s20 =	sadd.s32 $0x2800, s0;
	[dreg:$0x7] =	wrdreg s18  }
0xa: {  	s21 =	sadd.s32 $0x3000, s0;
	s22 =	sadd.s32 $0x3800, s0;
	[dreg:$0x8] =	wrdreg s19  }
0xb: {  	p0 =	sne.s32 s4, $0x0;
	s4 =	simm.s32 $0x1480;
	[dreg:$0x9] =	wrdreg s20  }
0xc: {  	s6 =	sshll.u32 s3, $0x1;
	s3 =	ssub.s32 $0x2, s3;
	[dreg:$0xa] =	wrdreg s21  }
0xd: {  	[dreg:$0xb] =	wrdreg s22;
	s23 =	sshll.u32 s7, $0x4;
	s24 =	sshll.u32 s7, $0xB  }
0xe: {  	p1 =	sne.s32 s13, $0x0;
	s6 =	sor.u32 s7, s6;
	s12 =	sshrl.u32 s3, $0x1  }
0xf: {  	s25 =	sor.u32 $0x20, s23;
	s26 =	sor.u32 $0x40, s23;
	s21 =	sor.u32 $0x60, s23  }
0x10: {  	s11 =	sshll.u32 s6, $0x4;
	s3 =	ssub.s32 s3, s12;
	s12 =	sshll.u32 s13, $0x7  }
0x11: {  	v0 =	vlaneseq.u32;
	s6 =	sshll.u32 s6, $0xA;
	s30 =	sshll.u32 s25, $0x7;
	s15 =	sshll.u32 s26, $0x7  }
0x12: {  	s31 =	sshll.u32 s21, $0x7;
	v2 =	vor.u32 s25, v0;
	v4 =	vor.u32 s21, v0;
	s21 =	simm.s32 $0x1;
	s25 =	simm.s32 $0x10  }
0x13: {  	v3 =	vor.u32 s26, v0;
	s26 =	simm.s32 $0x1400;
	s2 =	sadd.s32 s11, s2;
	s1 =	sadd.s32 s1, s12  }
0x14: {  	s11 =	sshll.u32 s7, $0xA;
	s14 =	sadd.s32 s30, s0;
	s15 =	sadd.s32 s15, s0  }
0x15: {  	s16 =	sadd.s32 s31, s0;
	s20 =	smax.u32 s3, $0x1;
	s1 =	sadd.s32 s6, s1  }
0x16: {  	v5 =	vimm.s32 $0x0;
	s11 =	sadd.s32 s11, s5;
	s5 =	sadd.s32 s24, s0;
	s19 =	sadd.s32 $0xA00, s2  }
0x17: {  	v6 =	vimm.s32 $0x1;
	vm0 =	vmmov $0x1;
	v7 =	vor.u32 $0x80000000, v0;
	s24 =	simm.s32 $0x400;
	[dreg:$0xc] =	wrdreg s1;
	s12 =	sadd.s32 s12, s11  }
0x18: {  	v1 =	vor.u32 s23, v0;
	vm1 =	vcmask @!p1 $0x3F08;
	vm2 =	vmmov @!p1 $0x1;
	[dreg:$0xd] =	wrdreg s5;
	s18 =	sadd.s32 $0x800, s11;
	s17 =	sadd.s32 $0x800, s12  }
.LBB2_1:
0x19: {  	[tilespmem:$0x400] =	vst v5  }
0x1a: {  	[tilespmem:$0x480] =	vst v5  }
0x1b: {  	[tilespmem:$0x500] =	vst v5  }
0x1c: {  	[tilespmem:$0x580] =	vst v5  }
0x1d: {  	[tilespmem:$0x600] =	vst v5  }
0x1e: {  	[tilespmem:$0x680] =	vst v5  }
0x1f: {  	[tilespmem:$0x700] =	vst v5  }
0x20: {  	[tilespmem:$0x780] =	vst v5  }
0x21: {  	[tilespmem:$0x800] =	vst v5  }
0x22: {  	[tilespmem:$0x880] =	vst v5  }
0x23: {  	[tilespmem:$0x900] =	vst v5  }
0x24: {  	[tilespmem:$0x980] =	vst v5  }
0x25: {  	[tilespmem:$0xA00] =	vst v5  }
0x26: {  	[tilespmem:$0xA80] =	vst v5  }
0x27: {  	[tilespmem:$0xB00] =	vst v5  }
0x28: {  	[tilespmem:$0xB80] =	vst v5;
	s1 =	simm.s32 @!p0 $0x400;
	s2 =	simm.s32 @!p0 $0x1  }
0x29: {  	[spmem:s0] =	stream.linear.scatter @!p0 [tilespmem:s1], [sflag:$0x1], $0x800, $0x38;
	[tilespmem:$0x1A20] =	vst v63  }
0x2a: {  	_ =	swait.ge @!p0 [sflag:s2], $0x800  }
0x2b: {  	[sflag:s2] =	ssyncset.done @!p0 $0x0  }
0x2c: {  	s3 =	rddreg [dreg:$0x5];
	[sflag:s2] =	ssyncadd.s32 @!p0 $0xFFFFF800  }
0x2d: {  	[spmem:s3] =	stream.linear.scatter @!p0 [tilespmem:s1], [sflag:$0x1], $0x800, $0x38;
	[tilespmem:$0x1A20] =	vst v63  }
0x2e: {  	_ =	swait.ge @!p0 [sflag:s2], $0x800  }
0x2f: {  	[sflag:s2] =	ssyncset.done @!p0 $0x0  }
0x30: {  	s3 =	rddreg [dreg:$0x6];
	[sflag:s2] =	ssyncadd.s32 @!p0 $0xFFFFF800  }
0x31: {  	[spmem:s3] =	stream.linear.scatter @!p0 [tilespmem:s1], [sflag:$0x1], $0x800, $0x38;
	[tilespmem:$0x1A20] =	vst v63  }
0x32: {  	_ =	swait.ge @!p0 [sflag:s2], $0x800  }
0x33: {  	[sflag:s2] =	ssyncset.done @!p0 $0x0  }
0x34: {  	s3 =	rddreg [dreg:$0x7];
	[sflag:s2] =	ssyncadd.s32 @!p0 $0xFFFFF800  }
0x35: {  	[spmem:s3] =	stream.linear.scatter @!p0 [tilespmem:s1], [sflag:$0x1], $0x800, $0x38;
	[tilespmem:$0x1A20] =	vst v63  }
0x36: {  	_ =	swait.ge @!p0 [sflag:s2], $0x800  }
0x37: {  	[sflag:s2] =	ssyncset.done @!p0 $0x0  }
0x38: {  	s3 =	rddreg [dreg:$0x8];
	[sflag:s2] =	ssyncadd.s32 @!p0 $0xFFFFF800  }
0x39: {  	[spmem:s3] =	stream.linear.scatter @!p0 [tilespmem:s1], [sflag:$0x1], $0x800, $0x38;
	[tilespmem:$0x1A20] =	vst v63  }
0x3a: {  	_ =	swait.ge @!p0 [sflag:s2], $0x800  }
0x3b: {  	[sflag:s2] =	ssyncset.done @!p0 $0x0  }
0x3c: {  	s3 =	rddreg [dreg:$0x9];
	[sflag:s2] =	ssyncadd.s32 @!p0 $0xFFFFF800  }
0x3d: {  	[spmem:s3] =	stream.linear.scatter @!p0 [tilespmem:s1], [sflag:$0x1], $0x800, $0x38;
	[tilespmem:$0x1A20] =	vst v63  }
0x3e: {  	_ =	swait.ge @!p0 [sflag:s2], $0x800  }
0x3f: {  	[sflag:s2] =	ssyncset.done @!p0 $0x0  }
0x40: {  	s3 =	rddreg [dreg:$0xa];
	[sflag:s2] =	ssyncadd.s32 @!p0 $0xFFFFF800  }
0x41: {  	[spmem:s3] =	stream.linear.scatter @!p0 [tilespmem:s1], [sflag:$0x1], $0x800, $0x38;
	[tilespmem:$0x1A20] =	vst v63  }
0x42: {  	_ =	swait.ge @!p0 [sflag:s2], $0x800  }
0x43: {  	[sflag:s2] =	ssyncset.done @!p0 $0x0  }
0x44: {  	s3 =	rddreg [dreg:$0xb];
	[sflag:s2] =	ssyncadd.s32 @!p0 $0xFFFFF800  }
0x45: {  	[spmem:s3] =	stream.linear.scatter @!p0 [tilespmem:s1], [sflag:$0x1], $0x800, $0x38;
	[tilespmem:$0x1A20] =	vst v63  }
0x46: {  	_ =	swait.ge @!p0 [sflag:s2], $0x800  }
0x47: {  	[sflag:s2] =	ssyncset.done @!p0 $0x0  }
0x48: {  	[sflag:s2] =	ssyncadd.s32 @!p0 $0xFFFFF800  }
0x49: {  	[bflag:$0x0] =	sbarrier.arrive $0xFFFF  }
0x4a: {  	s23 =	simm.s32 $0x0;
	s30 =	rddreg [dreg:$0xc]  }
0x4b: {  	[tilespmem:s23], [sflag:$0x1] =	stream.linear.gather [hbm4b:s30+s23], $0x400, $0x38;
	[tilespmem:$0x1A20] =	vst v63  }
0x4c: {  	_ =	swait.ge [sflag:s21], $0x400  }
0x4d: {  	[sflag:s21] =	ssyncset.done $0x0  }
0x4e: {  	s31 =	simm.s32 $0x0;
	[sflag:s21] =	ssyncadd.s32 $0xFFFFFC00  }
0x4f: {  	v8 =	vimm.f32 $-Inf;
	s1 =	simm.s32 $0x40;
	v9 =	vld [tilespmem:s31+$0x0]  }
.LBB2_2:
0x50: {  	p2 =	sne.s32 s1, $0xFC0  }
.Ltmp0:
0x51: {  	_ = 	snop;
	(pc) =	sbr.rel @p2 .LBB2_2-.Ltmp0, $3  }
0x52: {  	_ =	sdelay $0x1  }
0x53: {  	s2 =	sshra.s32 s1, $0x2;
	s1 =	sadd.s32 $0x40, s1;
	v8 =	vmax.f32 v8, v9  }
0x54: {  	v9 =	vld [tilespmem:s2+$0x0]  }
0x55: {  	_ =	sdelay $0x3  }
0x56: {  	v8 =	vmax.f32 v8, v9  }
0x57: {  	(xrf0) =	vmax.scan.msk.f32 $0xffff, v8;
	_ =	sdelay $0x5  }
0x58: {  	v8, _, _ =	vpop (xrf0)  }
0x59: {  	v8 =	vbroadcast v8, $0xF;
	_ =	sdelay $0x1  }
0x5a: {  	[tilespmem:$0x1480] =	vst v8  }
0x5b: {  	[spmem:s12] =	stream.linear.scatter [tilespmem:s4], [sflag:$0x1], $0x80, $0x38;
	[tilespmem:$0x1A20] =	vst v63  }
0x5c: {  	_ =	swait.ge [sflag:s21], $0x80  }
0x5d: {  	[sflag:s21] =	ssyncset.done $0x0  }
0x5e: {  	[sflag:s21] =	ssyncadd.s32 $0xFFFFFF80  }
0x5f: {  	s1 =	simm.s32 $0x1500;
	[bflag:$0x0] =	sbarrier.arrive $0xFFFF  }
0x60: {  	[tilespmem:s1], [sflag:$0x1] =	stream.linear.gather [spmem:s11], $0x400, $0x38;
	[tilespmem:$0x1A20] =	vst v63  }
0x61: {  	_ =	swait.ge [sflag:s21], $0x400  }
0x62: {  	[sflag:s21] =	ssyncset.done $0x0  }
0x63: {  	[sflag:s21] =	ssyncadd.s32 $0xFFFFFC00  }
0x64: {  	v8 =	vld [tilespmem:$0x1500]  }
0x65: {  	v9 =	vld [tilespmem:$0x1580]  }
0x66: {  	v10 =	vld [tilespmem:$0x1600]  }
0x67: {  	v11 =	vld [tilespmem:$0x1680]  }
0x68: {  	v12 =	vld [tilespmem:$0x1700]  }
0x69: {  	v13 =	vld [tilespmem:$0x1780]  }
0x6a: {  	v14 =	vld [tilespmem:$0x1800]  }
0x6b: {  	s2 =	simm.s32 $0x0;
	s1 =	simm.s32 $0x40;
	v15 =	vld [tilespmem:$0x1880]  }
.LBB2_4:
0x6c: {  	p2 =	sne.s32 s1, $0xFC0;
	v16 =	vld [tilespmem:s2+$0x0];
	_ =	sdelay $0x4  }
0x6d: {  	v17 =	vshra.s32 v16, $0x1F  }
0x6e: {  	v17 =	vor.u32 $0x80000000, v17  }
0x6f: {  	v16 =	vxor.u32 v16, v17  }
0x70: {  	v17 =	vshrl.u32 v16, $0x18;
	v16 =	vshrl.u32 v16, $0x15  }
0x71: {  	v17 =	vand.u32 $0xF, v17;
	v16 =	vand.u32 $0x780, v16  }
0x72: {  	v16 =	vor.u32 v17, v16  }
.Ltmp1:
0x73: {  	(pc) =	sbr.rel @p2 .LBB2_4-.Ltmp1, $2  }
0x74: {  	_ =	sdelay $0x2  }
0x75: {  	s2 =	sshra.s32 s1, $0x2;
	s1 =	sadd.s32 $0x40, s1;
	[tilespmem:v16+s24+$0x0] =	vst.idx.add.s32.msk $0xffff, v6  }
0x76: {  	v16 =	vld [tilespmem:s2+$0x0];
	_ =	sdelay $0x4  }
0x77: {  	v17 =	vshra.s32 v16, $0x1F  }
0x78: {  	v17 =	vor.u32 $0x80000000, v17  }
0x79: {  	v16 =	vxor.u32 v16, v17  }
0x7a: {  	v17 =	vshrl.u32 v16, $0x18;
	v16 =	vshrl.u32 v16, $0x15  }
0x7b: {  	v17 =	vand.u32 $0xF, v17;
	v16 =	vand.u32 $0x780, v16  }
0x7c: {  	v16 =	vor.u32 v17, v16;
	_ =	sdelay $0x4  }
0x7d: {  	[tilespmem:v16+s24+$0x0] =	vst.idx.add.s32.msk $0xffff, v6  }
0x7e: {  	[tilespmem:$0x1400] =	vst v1  }
0x7f: {  	[spmem:s0] =	stream.indirect.scatter.add.s32 [tilespmem:s24], [sflag:$0x1], $0x10, s26, s25, $0xb8;
	[tilespmem:$0x1A20] =	vst v63  }
0x80: {  	_ =	swait.ge [sflag:s21], $0x100  }
0x81: {  	[sflag:s21] =	ssyncset.done $0x0  }
0x82: {  	[sflag:s21] =	ssyncadd.s32 $0xFFFFFF00  }
0x83: {  	[bflag:$0x0] =	sbarrier.arrive $0xFFFF  }
0x84: {  	s1 =	rddreg [dreg:$0xd]  }
0x85: {  	[tilespmem:s28], [sflag:$0x1] =	stream.linear.gather [spmem:s1], $0x800, $0x38;
	[tilespmem:$0x1A20] =	vst v63  }
0x86: {  	_ =	swait.ge [sflag:s21], $0x800  }
0x87: {  	[sflag:s21] =	ssyncset.done $0x0  }
0x88: {  	s8 =	simm.s32 $0x1380;
	[sflag:s21] =	ssyncadd.s32 $0xFFFFF800  }
0x89: {  	v16 =	vld [tilespmem:s8+$0x0];
	_ =	sdelay $0x4  }
0x8a: {  	(xrf0) =	vadd.scan.msk.s32 $0xffff, v16;
	_ =	sdelay $0x5  }
0x8b: {  	v17, _, _ =	vpop (xrf0)  }
0x8c: {  	s9 =	simm.s32 $0x1300;
	(v2sf) =	vpush v17, $0xF  }
0x8d: {  	v18 =	vld [tilespmem:s9+$0x0]  }
0x8e: {  	s10 =	simm.s32 $0x1280  }
0x8f: {  	v19 =	vld [tilespmem:s10+$0x0]  }
0x90: {  	s13 =	simm.s32 $0x1200  }
0x91: {  	v20 =	vld [tilespmem:s13+$0x0]  }
0x92: {  	(xrf0) =	vadd.scan.msk.s32 $0xffff, v18;
	_ =	sdelay $0x1  }
0x93: {  	(xrf0) =	vadd.scan.msk.s32 $0xffff, v19;
	_ =	sdelay $0x1  }
0x94: {  	(xrf0) =	vadd.scan.msk.s32 $0xffff, v20;
	_ =	sdelay $0x1  }
0x95: {  	s22 =	simm.s32 $0x1180;
	v22, _, _ =	vpop (xrf0)  }
0x96: {  	v21 =	vld [tilespmem:s22+$0x0];
	(v2sf) =	vpush v22, $0xF  }
0x97: {  	v23, _, _ =	vpop (xrf0)  }
0x98: {  	s23 =	spop (v2sf);
	(v2sf) =	vpush v23, $0xF  }
0x99: {  	v16 =	vsub.s32 v16, v17;
	v17, _, _ =	vpop (xrf0)  }
0x9a: {  	(v2sf) =	vpush v17, $0xF  }
0x9b: {  	(xrf0) =	vadd.scan.msk.s32 $0xffff, v21;
	s2 =	sadd.s32 $0x0, s23  }
0x9c: {  	s7 =	simm.s32 $0xF0;
	v16 =	vadd.s32 s2, v16  }
0x9d: {  	v24 =	vor.u32 s7, v7;
	vm3 =	vgt.s32 v16, $0x17FF  }
0x9e: {  	v16 =	vnsel vm3, $0x7FFFFFFF, v24  }
0x9f: {  	(xrf0) =	vmax.scan.msk.u32 $0xffff, v16;
	_ =	sdelay $0x1  }
0xa0: {  	v62, _, _ =	vpop (xrf0)  }
0xa1: {  	(v2sf) =	vpush v62, $0xF  }
0xa2: {  	s3 =	simm.s32 $0x1100  }
0xa3: {  	v25 =	vld [tilespmem:s3+$0x0]  }
0xa4: {  	s3 =	simm.s32 $0x1080;
	s4 =	spop (v2sf);
	v16, _, _ =	vpop (xrf0)  }
0xa5: {  	s1 =	sadd.s32 s2, s4;
	(v2sf) =	vpush v16, $0xF;
	v16 =	vsub.s32 v18, v22;
	v18 =	vld [tilespmem:s3+$0x0]  }
0xa6: {  	s5 =	simm.s32 $0xE0;
	v16 =	vadd.s32 s1, v16;
	s6 =	spop (v2sf)  }
0xa7: {  	v19 =	vsub.s32 v19, v23;
	v22 =	vor.u32 s5, v7;
	vm3 =	vgt.s32 v16, $0x17FF;
	s1 =	sadd.s32 s1, s6  }
0xa8: {  	s7 =	simm.s32 $0xD0;
	s4 =	simm.s32 $0x1000;
	(xrf0) =	vadd.scan.msk.s32 $0xffff, v25;
	v16 =	vnsel vm3, $0x7FFFFFFF, v22;
	s8 =	spop (v2sf);
	v19 =	vadd.s32 s1, v19  }
0xa9: {  	v17 =	vsub.s32 v20, v17;
	v23 =	vld [tilespmem:s4+$0x0];
	(xrf0) =	vmax.scan.msk.u32 $0xffff, v16;
	v16 =	vor.u32 s7, v7;
	s1 =	sadd.s32 s1, s8;
	vm3 =	vgt.s32 v19, $0x17FF  }
0xaa: {  	s9 =	simm.s32 $0xC0;
	(xrf0) =	vadd.scan.msk.s32 $0xffff, v18;
	v17 =	vadd.s32 s1, v17;
	v16 =	vnsel vm3, $0x7FFFFFFF, v16  }
0xab: {  	vm3 =	vgt.s32 v17, $0x17FF;
	(xrf0) =	vmax.scan.msk.u32 $0xffff, v16;
	v16 =	vor.u32 s9, v7  }
0xac: {  	v17 =	vnsel vm3, $0x7FFFFFFF, v16;
	_ =	sdelay $0x1  }
0xad: {  	(xrf0) =	vadd.scan.msk.s32 $0xffff, v23  }
0xae: {  	v20 =	vsub.s32 v21, v62;
	(xrf0) =	vmax.scan.msk.u32 $0xffff, v17;
	v17, _, _ =	vpop (xrf0)  }
0xaf: {  	s13 =	spop (v2sf);
	v19, _, _ =	vpop (xrf0);
	(v2sf) =	vpush v17, $0xF  }
0xb0: {  	s4 =	sadd.s32 s1, s13;
	v21, _, _ =	vpop (xrf0);
	(v2sf) =	vpush v19, $0xF  }
0xb1: {  	v19 =	vadd.s32 s4, v20;
	(v2sf) =	vpush v21, $0xF;
	v20, _, _ =	vpop (xrf0)  }
0xb2: {  	(v2sf) =	vpush v20, $0xF;
	_ =	sdelay $0x3  }
0xb3: {  	v63, _, _ =	vpop (xrf0)  }
0xb4: {  	s10 =	simm.s32 $0xF80;
	s23 =	spop (v2sf);
	(v2sf) =	vpush v63, $0xF  }
0xb5: {  	v16 =	vld [tilespmem:s10+$0x0];
	_ =	sdelay $0x2  }
0xb6: {  	s30 =	simm.s32 $0xFFFFFFFF;
	s22 =	simm.s32 $0xB0  }
0xb7: {  	s31 =	simm.s32 $0x80;
	s2 =	simm.s32 $0x90;
	s5 =	simm.s32 $0xA0;
	v22 =	vor.u32 s22, v7;
	vm3 =	vgt.s32 v19, $0x17FF  }
0xb8: {  	s6 =	simm.s32 $0xF00;
	s7 =	simm.s32 $0x50;
	(xrf0) =	vadd.scan.msk.s32 $0xffff, v16;
	v22 =	vnsel vm3, $0x7FFFFFFF, v22;
	s3 =	sxor.u32 $0x80000000, s23  }
0xb9: {  	s1 =	simm.s32 $0x70;
	v19 =	vsub.s32 v25, v17;
	v17 =	vld [tilespmem:s6+$0x0];
	s23 =	simm.s32 $0x60;
	v20 =	vsub.s32 v18, v21;
	v18 =	vsub.s32 v23, v63;
	(xrf0) =	vmax.scan.msk.u32 $0xffff, v22;
	v21, _, _ =	vpop (xrf0);
	p2 =	slt.s32 s3, $0xFFFFFFFF  }
.LBB2_6:
0xba: {  	s8 =	smov.u32 s30  }
0xbb: {  	s30 =	smov.u32 s3;
	s9 =	sadd.s32 $0xFFFFFFF0, s7;
	p3 =	seq.s32 s7, $0x0  }
0xbc: {  	s22 =	spop (v2sf);
	(v2sf) =	vpush v21, $0xF;
	s30 =	smov.u32 @p2 s8;
	s8 =	smov.u32 s7  }
.Ltmp2:
0xbd: {  	s4 =	sadd.s32 s4, s22;
	(pc) =	sbr.rel @!p3 .LBB2_6-.Ltmp2, $4  }
0xbe: {  	s6 =	sadd.s32 $0xFFFFFF80, s6;
	v23 =	vor.u32 s5, v7;
	s5 =	smov.u32 s2;
	s2 =	smov.u32 s31;
	(xrf0) =	vadd.scan.msk.s32 $0xffff, v17;
	v21, _, _ =	vpop (xrf0);
	v22 =	vadd.s32 s4, v19;
	v19 =	vmov v20  }
0xbf: {  	s31 =	smov.u32 s1;
	s1 =	smov.u32 s23;
	v20 =	vmovc v18;
	(v2sf) =	vpush v21, $0xF;
	vm3 =	vgt.s32 v22, $0x17FF;
	s3 =	spop (v2sf);
	v18 =	vsub.s32 v16, v21;
	v16 =	vmovc v17;
	v17 =	vld [tilespmem:s6+$0x0]  }
0xc0: {  	s23 =	smov.u32 s8;
	v22 =	vnsel vm3, $0x7FFFFFFF, v23;
	s3 =	sxor.u32 $0x80000000, s3  }
0xc1: {  	s7 =	smov.u32 s9;
	(xrf0) =	vmax.scan.msk.u32 $0xffff, v22;
	v21, _, _ =	vpop (xrf0);
	p2 =	sgt.s32 s30, s3  }
0xc2: {  	_ =	sdelay $0x1  }
0xc3: {  	(xrf0) =	vadd.scan.msk.s32 $0xffff, v17;
	_ =	sdelay $0x3  }
0xc4: {  	(v2sf) =	vpush v21, $0xF;
	v61, _, _ =	vpop (xrf0)  }
0xc5: {  	(v2sf) =	vpush v61, $0xF;
	v22, _, _ =	vpop (xrf0)  }
0xc6: {  	(v2sf) =	vpush v22, $0xF;
	v62, _, _ =	vpop (xrf0)  }
0xc7: {  	(v2sf) =	vpush v62, $0xF;
	_ =	sdelay $0x6  }
0xc8: {  	s6 =	spop (v2sf)  }
0xc9: {  	s7 =	spop (v2sf);
	s4 =	sadd.s32 s4, s6  }
0xca: {  	s13 =	spop (v2sf);
	v19 =	vadd.s32 s4, v19  }
0xcb: {  	vm3 =	vgt.s32 v19, $0x17FF;
	v19 =	vor.u32 s5, v7;
	s4 =	sadd.s32 s4, s13;
	s5 =	spop (v2sf)  }
0xcc: {  	v19 =	vnsel vm3, $0x7FFFFFFF, v19;
	v20 =	vadd.s32 s4, v20;
	s22 =	spop (v2sf)  }
0xcd: {  	(xrf0) =	vmax.scan.msk.u32 $0xffff, v19;
	v19 =	vor.u32 s2, v7;
	vm3 =	vgt.s32 v20, $0x17FF;
	s8 =	sadd.s32 s4, s22;
	s9 =	spop (v2sf)  }
0xce: {  	v19 =	vnsel vm3, $0x7FFFFFFF, v19;
	v18 =	vadd.s32 s8, v18;
	s10 =	spop (v2sf)  }
0xcf: {  	v16 =	vsub.s32 v16, v61;
	(xrf0) =	vmax.scan.msk.u32 $0xffff, v19;
	v19 =	vor.u32 s31, v7;
	vm3 =	vgt.s32 v18, $0x17FF;
	s2 =	sadd.s32 s8, s10;
	s13 =	spop (v2sf)  }
0xd0: {  	v18 =	vnsel vm3, $0x7FFFFFFF, v19;
	v16 =	vadd.s32 s2, v16;
	s8 =	spop (v2sf)  }
0xd1: {  	v17 =	vsub.s32 v17, v62;
	v19 =	vor.u32 s1, v7;
	(xrf0) =	vmax.scan.msk.u32 $0xffff, v18;
	vm3 =	vgt.s32 v16, $0x17FF;
	s22 =	sadd.s32 s2, s8  }
0xd2: {  	v16 =	vnsel vm3, $0x7FFFFFFF, v19;
	v17 =	vadd.s32 s22, v17  }
0xd3: {  	v18, _, _ =	vpop (xrf0);
	(xrf0) =	vmax.scan.msk.u32 $0xffff, v16;
	v16 =	vor.u32 s23, v7;
	vm3 =	vgt.s32 v17, $0x17FF  }
0xd4: {  	(v2sf) =	vpush v18, $0xF;
	v16 =	vnsel vm3, $0x7FFFFFFF, v16  }
0xd5: {  	v17, _, _ =	vpop (xrf0);
	(xrf0) =	vmax.scan.msk.u32 $0xffff, v16  }
0xd6: {  	(v2sf) =	vpush v17, $0xF  }
0xd7: {  	v16, _, _ =	vpop (xrf0)  }
0xd8: {  	(v2sf) =	vpush v16, $0xF  }
0xd9: {  	v16, _, _ =	vpop (xrf0)  }
0xda: {  	(v2sf) =	vpush v16, $0xF  }
0xdb: {  	v16, _, _ =	vpop (xrf0)  }
0xdc: {  	s3 =	smov.u32 @p2 s30;
	s1 =	sxor.u32 $0x80000000, s7;
	(v2sf) =	vpush v16, $0xF  }
0xdd: {  	p2 =	sgt.s32 s3, s1  }
0xde: {  	s1 =	smov.u32 @p2 s3;
	s2 =	sxor.u32 $0x80000000, s5  }
0xdf: {  	p2 =	sgt.s32 s1, s2  }
0xe0: {  	s2 =	smov.u32 @p2 s1;
	s1 =	sxor.u32 $0x80000000, s9  }
0xe1: {  	p2 =	sgt.s32 s2, s1  }
0xe2: {  	s1 =	smov.u32 @p2 s2;
	s2 =	sxor.u32 $0x80000000, s13  }
0xe3: {  	p2 =	sgt.s32 s1, s2;
	s31 =	spop (v2sf)  }
0xe4: {  	s2 =	smov.u32 @p2 s1;
	s1 =	sxor.u32 $0x80000000, s31  }
0xe5: {  	p2 =	sgt.s32 s2, s1;
	s4 =	spop (v2sf)  }
0xe6: {  	s1 =	smov.u32 @p2 s2;
	s2 =	sxor.u32 $0x80000000, s4  }
0xe7: {  	p2 =	sgt.s32 s1, s2;
	s5 =	spop (v2sf)  }
0xe8: {  	s2 =	smov.u32 @p2 s1;
	s1 =	sxor.u32 $0x80000000, s5  }
0xe9: {  	s6 =	spop (v2sf);
	p2 =	sgt.s32 s2, s1  }
0xea: {  	s1 =	smov.u32 @p2 s2;
	s2 =	sxor.u32 $0x80000000, s6  }
0xeb: {  	s8 =	simm.s32 $0xC00;
	p2 =	sgt.s32 s1, s2;
	s7 =	spop (v2sf)  }
0xec: {  	s9 =	simm.s32 $0xC80;
	v17 =	vld [tilespmem:s8+$0x0];
	s2 =	smov.u32 @p2 s1;
	s30 =	sxor.u32 $0x80000000, s7  }
0xed: {  	v18 =	vld [tilespmem:s9+$0x0];
	p2 =	sgt.s32 s2, s30  }
0xee: {  	s1 =	simm.s32 $0x0;
	s30 =	smov.u32 @p2 s2  }
0xef: {  	s10 =	simm.s32 $0x10;
	v19 =	vor.u32 s1, v0;
	v16 =	vmov s30  }
0xf0: {  	vm3 =	vgt.s32 v19, v16;
	v19 =	vor.u32 s10, v0  }
0xf1: {  	v17 =	vnsel vm3, $0x0, v17;
	vm3 =	vgt.s32 v19, v16  }
0xf2: {  	(xrf0) =	vadd.scan.msk.s32 $0xffff, v17;
	v17 =	vnsel vm3, $0x0, v18  }
0xf3: {  	s13 =	simm.s32 $0xD00;
	(xrf0) =	vadd.scan.msk.s32 $0xffff, v17  }
0xf4: {  	s23 =	simm.s32 $0x20;
	v17 =	vld [tilespmem:s13+$0x0]  }
0xf5: {  	s31 =	simm.s32 $0x30;
	v19 =	vor.u32 s23, v0  }
0xf6: {  	vm3 =	vgt.s32 v19, v16;
	v19 =	vor.u32 s31, v0;
	_ =	sdelay $0x1  }
0xf7: {  	v63, _, _ =	vpop (xrf0)  }
0xf8: {  	v17 =	vnsel vm3, $0x0, v17;
	vm3 =	vgt.s32 v19, v16;
	(v2sf) =	vpush v63, $0xF;
	v19, _, _ =	vpop (xrf0)  }
0xf9: {  	(v2sf) =	vpush v19, $0xF;
	_ =	sdelay $0x2  }
0xfa: {  	s22 =	simm.s32 $0xD80  }
0xfb: {  	v18 =	vld [tilespmem:s22+$0x0];
	(xrf0) =	vadd.scan.msk.s32 $0xffff, v17;
	_ =	sdelay $0x4  }
0xfc: {  	s3 =	simm.s32 $0xE00;
	s2 =	simm.s32 $0x40;
	v17 =	vnsel vm3, $0x0, v18  }
.LBB2_8:
0xfd: {  	v18 =	vld [tilespmem:s3+$0x0];
	p2 =	seq.s32 s2, $0xF0;
	(xrf0) =	vadd.scan.msk.s32 $0xffff, v17;
	v17, _, _ =	vpop (xrf0);
	s4 =	smov.u32 s2;
	s2 =	sadd.s32 $0x10, s2  }
.Ltmp3:
0xfe: {  	(v2sf) =	vpush v17, $0xF;
	(pc) =	sbr.rel @!p2 .LBB2_8-.Ltmp3, $4  }
0xff: {  	_ = 	snop  }
0x100: {  	v17 =	vor.u32 s4, v0  }
0x101: {  	vm3 =	vgt.s32 v17, v16;
	s4 =	spop (v2sf)  }
0x102: {  	s3 =	sadd.s32 $0x80, s3;
	v17 =	vnsel vm3, $0x0, v18;
	s1 =	sadd.s32 s1, s4  }
0x103: {  	(xrf0) =	vadd.scan.msk.s32 $0xffff, v17;
	_ =	sdelay $0x4  }
0x104: {  	v17, _, _ =	vpop (xrf0)  }
0x105: {  	(v2sf) =	vpush v17, $0xF;
	v17, _, _ =	vpop (xrf0)  }
0x106: {  	(v2sf) =	vpush v17, $0xF  }
0x107: {  	[tilespmem:$0x400] =	vst v5  }
0x108: {  	[tilespmem:$0x480] =	vst v5  }
0x109: {  	[tilespmem:$0x500] =	vst v5  }
0x10a: {  	[tilespmem:$0x580] =	vst v5  }
0x10b: {  	[tilespmem:$0x600] =	vst v5  }
0x10c: {  	[tilespmem:$0x680] =	vst v5  }
0x10d: {  	[tilespmem:$0x700] =	vst v5  }
0x10e: {  	[tilespmem:$0x780] =	vst v5  }
0x10f: {  	[tilespmem:$0x800] =	vst v5  }
0x110: {  	[tilespmem:$0x880] =	vst v5  }
0x111: {  	[tilespmem:$0x900] =	vst v5  }
0x112: {  	s2 =	spop (v2sf);
	[tilespmem:$0x980] =	vst v5  }
0x113: {  	[tilespmem:$0xA00] =	vst v5;
	s1 =	sadd.s32 s1, s2;
	s13 =	spop (v2sf)  }
0x114: {  	[tilespmem:$0xA80] =	vst v5;
	s1 =	sadd.s32 s1, s13;
	s22 =	spop (v2sf)  }
0x115: {  	[tilespmem:$0xB00] =	vst v5;
	s1 =	sadd.s32 s1, s22;
	s23 =	spop (v2sf)  }
0x116: {  	[tilespmem:$0xB80] =	vst v5;
	s2 =	simm.s32 $0x0;
	s31 =	sadd.s32 s1, s23;
	s1 =	simm.s32 $0x40  }
.LBB2_10:
0x117: {  	p2 =	sne.s32 s1, $0xFC0;
	v17 =	vld [tilespmem:s2+$0x0];
	_ =	sdelay $0x4  }
0x118: {  	v18 =	vxor.u32 $0x7FFFFFFF, v17;
	vm3 =	vlt.s32 v17, $0x0  }
0x119: {  	v17 =	vsel vm3, v18, v17  }
0x11a: {  	v18 =	vshrl.u32 v17, $0x18  }
0x11b: {  	v19 =	vshrl.u32 v17, $0x10;
	v17 =	vshrl.u32 v17, $0xD;
	v18 =	vxor.u32 v16, v18  }
0x11c: {  	v19 =	vand.u32 $0xF, v19;
	v17 =	vand.u32 $0x780, v17;
	vm3 =	veq.s32 v18, $0x80  }
0x11d: {  	v17 =	vor.u32 v19, v17  }
.Ltmp4:
0x11e: {  	(pc) =	sbr.rel @p2 .LBB2_10-.Ltmp4, $2  }
0x11f: {  	_ =	sdelay $0x2  }
0x120: {  	s2 =	sshra.s32 s1, $0x2;
	s1 =	sadd.s32 $0x40, s1;
	[tilespmem:v17+s24+$0x0] =	vst.idx.add.s32.msk vm3, v6  }
0x121: {  	v17 =	vld [tilespmem:s2+$0x0];
	_ =	sdelay $0x4  }
0x122: {  	v18 =	vxor.u32 $0x7FFFFFFF, v17;
	vm3 =	vlt.s32 v17, $0x0  }
0x123: {  	v17 =	vsel vm3, v18, v17  }
0x124: {  	v18 =	vshrl.u32 v17, $0x18  }
0x125: {  	v19 =	vshrl.u32 v17, $0x10;
	v17 =	vshrl.u32 v17, $0xD;
	v16 =	vxor.u32 v16, v18  }
0x126: {  	v18 =	vand.u32 $0xF, v19;
	vm3 =	veq.s32 v16, $0x80;
	v16 =	vand.u32 $0x780, v17  }
0x127: {  	v16 =	vor.u32 v18, v16;
	_ =	sdelay $0x4  }
0x128: {  	[tilespmem:v16+s24+$0x0] =	vst.idx.add.s32.msk vm3, v6  }
0x129: {  	[tilespmem:$0x1400] =	vst v2  }
0x12a: {  	[spmem:s0] =	stream.indirect.scatter.add.s32 [tilespmem:s24], [sflag:$0x1], $0x10, s26, s25, $0xb8;
	[tilespmem:$0x1A20] =	vst v63  }
0x12b: {  	_ =	swait.ge [sflag:s21], $0x100  }
0x12c: {  	[sflag:s21] =	ssyncset.done $0x0  }
0x12d: {  	[sflag:s21] =	ssyncadd.s32 $0xFFFFFF00  }
0x12e: {  	[bflag:$0x0] =	sbarrier.arrive $0xFFFF  }
0x12f: {  	[tilespmem:s28], [sflag:$0x1] =	stream.linear.gather [spmem:s14], $0x800, $0x38;
	[tilespmem:$0x1A20] =	vst v63  }
0x130: {  	_ =	swait.ge [sflag:s21], $0x800  }
0x131: {  	[sflag:s21] =	ssyncset.done $0x0  }
0x132: {  	s3 =	simm.s32 $0x1380;
	[sflag:s21] =	ssyncadd.s32 $0xFFFFF800  }
0x133: {  	v17 =	vld [tilespmem:s3+$0x0];
	_ =	sdelay $0x4  }
0x134: {  	(xrf0) =	vadd.scan.msk.s32 $0xffff, v17;
	_ =	sdelay $0x5  }
0x135: {  	v18, _, _ =	vpop (xrf0)  }
0x136: {  	s5 =	simm.s32 $0x1300;
	(v2sf) =	vpush v18, $0xF  }
0x137: {  	v19 =	vld [tilespmem:s5+$0x0]  }
0x138: {  	s6 =	simm.s32 $0x1280  }
0x139: {  	v20 =	vld [tilespmem:s6+$0x0]  }
0x13a: {  	s7 =	simm.s32 $0x1200  }
0x13b: {  	v21 =	vld [tilespmem:s7+$0x0]  }
0x13c: {  	(xrf0) =	vadd.scan.msk.s32 $0xffff, v19;
	_ =	sdelay $0x1  }
0x13d: {  	(xrf0) =	vadd.scan.msk.s32 $0xffff, v20;
	_ =	sdelay $0x1  }
0x13e: {  	(xrf0) =	vadd.scan.msk.s32 $0xffff, v21;
	_ =	sdelay $0x1  }
0x13f: {  	s8 =	simm.s32 $0x1180;
	v23, _, _ =	vpop (xrf0)  }
0x140: {  	v22 =	vld [tilespmem:s8+$0x0];
	(v2sf) =	vpush v23, $0xF  }
0x141: {  	v24, _, _ =	vpop (xrf0)  }
0x142: {  	s9 =	spop (v2sf);
	(v2sf) =	vpush v24, $0xF  }
0x143: {  	v17 =	vsub.s32 v17, v18;
	v18, _, _ =	vpop (xrf0)  }
0x144: {  	(v2sf) =	vpush v18, $0xF  }
0x145: {  	s1 =	ssub.s32 $0x1800, s31;
	(xrf0) =	vadd.scan.msk.s32 $0xffff, v22;
	s3 =	sadd.s32 $0x0, s9  }
0x146: {  	s4 =	simm.s32 $0xF0;
	v16 =	vmov s1;
	v17 =	vadd.s32 s3, v17  }
0x147: {  	v25 =	vor.u32 s4, v7;
	vm3 =	vlt.s32 v17, v16  }
0x148: {  	v17 =	vsel vm3, $0x7FFFFFFF, v25  }
0x149: {  	(xrf0) =	vmax.scan.msk.u32 $0xffff, v17;
	_ =	sdelay $0x1  }
0x14a: {  	v61, _, _ =	vpop (xrf0)  }
0x14b: {  	(v2sf) =	vpush v61, $0xF  }
0x14c: {  	s10 =	simm.s32 $0x1100  }
0x14d: {  	v26 =	vld [tilespmem:s10+$0x0]  }
0x14e: {  	s4 =	simm.s32 $0x1080;
	s13 =	spop (v2sf);
	v17, _, _ =	vpop (xrf0)  }
0x14f: {  	s2 =	sadd.s32 s3, s13;
	(v2sf) =	vpush v17, $0xF;
	v17 =	vsub.s32 v19, v23;
	v19 =	vld [tilespmem:s4+$0x0]  }
0x150: {  	s22 =	simm.s32 $0xE0;
	v17 =	vadd.s32 s2, v17;
	s23 =	spop (v2sf)  }
0x151: {  	v20 =	vsub.s32 v20, v24;
	v23 =	vor.u32 s22, v7;
	vm3 =	vlt.s32 v17, v16;
	s2 =	sadd.s32 s2, s23  }
0x152: {  	s5 =	simm.s32 $0x1000;
	s6 =	simm.s32 $0xD0;
	(xrf0) =	vadd.scan.msk.s32 $0xffff, v26;
	v17 =	vsel vm3, $0x7FFFFFFF, v23;
	s7 =	spop (v2sf);
	v20 =	vadd.s32 s2, v20  }
0x153: {  	v62 =	vld [tilespmem:s5+$0x0];
	v18 =	vsub.s32 v21, v18;
	(xrf0) =	vmax.scan.msk.u32 $0xffff, v17;
	v17 =	vor.u32 s6, v7;
	s2 =	sadd.s32 s2, s7;
	vm3 =	vlt.s32 v20, v16  }
0x154: {  	s8 =	simm.s32 $0xC0;
	(xrf0) =	vadd.scan.msk.s32 $0xffff, v19;
	v18 =	vadd.s32 s2, v18;
	v17 =	vsel vm3, $0x7FFFFFFF, v17  }
0x155: {  	vm3 =	vlt.s32 v18, v16;
	(xrf0) =	vmax.scan.msk.u32 $0xffff, v17;
	v17 =	vor.u32 s8, v7  }
0x156: {  	v18 =	vsel vm3, $0x7FFFFFFF, v17;
	_ =	sdelay $0x1  }
0x157: {  	(xrf0) =	vadd.scan.msk.s32 $0xffff, v62  }
0x158: {  	v21 =	vsub.s32 v22, v61;
	(xrf0) =	vmax.scan.msk.u32 $0xffff, v18;
	v18, _, _ =	vpop (xrf0)  }
0x159: {  	s10 =	spop (v2sf);
	v20, _, _ =	vpop (xrf0);
	(v2sf) =	vpush v18, $0xF  }
0x15a: {  	s6 =	sadd.s32 s2, s10;
	v22, _, _ =	vpop (xrf0);
	(v2sf) =	vpush v20, $0xF  }
0x15b: {  	v20 =	vadd.s32 s6, v21;
	(v2sf) =	vpush v22, $0xF;
	v21, _, _ =	vpop (xrf0)  }
0x15c: {  	(v2sf) =	vpush v21, $0xF;
	_ =	sdelay $0x3  }
0x15d: {  	v63, _, _ =	vpop (xrf0)  }
0x15e: {  	s9 =	simm.s32 $0xF80;
	s22 =	spop (v2sf);
	(v2sf) =	vpush v63, $0xF  }
0x15f: {  	v17 =	vld [tilespmem:s9+$0x0];
	_ =	sdelay $0x2  }
0x160: {  	s1 =	simm.s32 $0xFFFFFFFF;
	s13 =	simm.s32 $0xB0  }
0x161: {  	s3 =	simm.s32 $0x90;
	s4 =	simm.s32 $0x80;
	v23 =	vor.u32 s13, v7;
	s23 =	simm.s32 $0x70;
	vm3 =	vlt.s32 v20, v16  }
0x162: {  	s7 =	simm.s32 $0xA0;
	s8 =	simm.s32 $0xF00;
	(xrf0) =	vadd.scan.msk.s32 $0xffff, v17;
	v23 =	vsel vm3, $0x7FFFFFFF, v23;
	s5 =	sxor.u32 $0x80000000, s22  }
0x163: {  	s2 =	simm.s32 $0x60;
	v20 =	vsub.s32 v26, v18;
	v18 =	vld [tilespmem:s8+$0x0];
	v21 =	vsub.s32 v19, v22;
	s22 =	simm.s32 $0x50;
	v19 =	vsub.s32 v62, v63;
	(xrf0) =	vmax.scan.msk.u32 $0xffff, v23;
	v22, _, _ =	vpop (xrf0);
	p2 =	slt.s32 s5, $0xFFFFFFFF  }
.LBB2_12:
0x164: {  	s9 =	smov.u32 s1  }
0x165: {  	s1 =	smov.u32 s5;
	s13 =	sadd.s32 $0xFFFFFFF0, s22;
	p3 =	seq.s32 s22, $0x0  }
0x166: {  	s10 =	spop (v2sf);
	(v2sf) =	vpush v22, $0xF;
	s1 =	smov.u32 @p2 s9;
	s9 =	smov.u32 s22  }
.Ltmp5:
0x167: {  	s6 =	sadd.s32 s6, s10;
	(pc) =	sbr.rel @!p3 .LBB2_12-.Ltmp5, $4  }
0x168: {  	s8 =	sadd.s32 $0xFFFFFF80, s8;
	v24 =	vor.u32 s7, v7;
	s7 =	smov.u32 s3;
	s3 =	smov.u32 s4;
	(xrf0) =	vadd.scan.msk.s32 $0xffff, v18;
	v22, _, _ =	vpop (xrf0);
	v23 =	vadd.s32 s6, v20;
	v20 =	vmov v21  }
0x169: {  	s4 =	smov.u32 s23;
	s23 =	smov.u32 s2;
	v21 =	vmovc v19;
	(v2sf) =	vpush v22, $0xF;
	vm3 =	vlt.s32 v23, v16;
	s5 =	spop (v2sf);
	v19 =	vsub.s32 v17, v22;
	v17 =	vmovc v18;
	v18 =	vld [tilespmem:s8+$0x0]  }
0x16a: {  	s2 =	smov.u32 s9;
	v23 =	vsel vm3, $0x7FFFFFFF, v24;
	s5 =	sxor.u32 $0x80000000, s5  }
0x16b: {  	s22 =	smov.u32 s13;
	(xrf0) =	vmax.scan.msk.u32 $0xffff, v23;
	v22, _, _ =	vpop (xrf0);
	p2 =	sgt.s32 s1, s5  }
0x16c: {  	_ =	sdelay $0x1  }
0x16d: {  	(xrf0) =	vadd.scan.msk.s32 $0xffff, v18;
	_ =	sdelay $0x2  }
0x16e: {  	(v2sf) =	vpush v22, $0xF;
	v57, _, _ =	vpop (xrf0)  }
0x16f: {  	(v2sf) =	vpush v57, $0xF  }
0x170: {  	v23, _, _ =	vpop (xrf0)  }
0x171: {  	(v2sf) =	vpush v23, $0xF;
	v58, _, _ =	vpop (xrf0)  }
0x172: {  	(v2sf) =	vpush v58, $0xF;
	_ =	sdelay $0x5  }
0x173: {  	s8 =	spop (v2sf)  }
0x174: {  	s9 =	spop (v2sf);
	s6 =	sadd.s32 s6, s8  }
0x175: {  	s13 =	spop (v2sf);
	v20 =	vadd.s32 s6, v20  }
0x176: {  	v59 =	vor.u32 s7, v7;
	vm3 =	vlt.s32 v20, v16;
	s7 =	spop (v2sf)  }
0x177: {  	s6 =	sadd.s32 s6, s13;
	v20 =	vsel vm3, $0x7FFFFFFF, v59;
	s22 =	spop (v2sf)  }
0x178: {  	v60 =	vor.u32 s3, v7;
	v21 =	vadd.s32 s6, v21;
	(xrf0) =	vmax.scan.msk.u32 $0xffff, v20;
	s10 =	sadd.s32 s6, s22;
	s6 =	spop (v2sf)  }
0x179: {  	v61 =	vor.u32 s4, v7;
	vm3 =	vlt.s32 v21, v16;
	v19 =	vadd.s32 s10, v19;
	s13 =	spop (v2sf)  }
0x17a: {  	v17 =	vsub.s32 v17, v57;
	v20 =	vsel vm3, $0x7FFFFFFF, v60;
	vm3 =	vlt.s32 v19, v16;
	s3 =	sadd.s32 s10, s13  }
0x17b: {  	(xrf0) =	vmax.scan.msk.u32 $0xffff, v20;
	v19 =	vsel vm3, $0x7FFFFFFF, v61;
	v17 =	vadd.s32 s3, v17;
	s22 =	spop (v2sf)  }
0x17c: {  	v62 =	vor.u32 s23, v7;
	vm3 =	vlt.s32 v17, v16;
	s10 =	spop (v2sf)  }
0x17d: {  	v18 =	vsub.s32 v18, v58;
	(xrf0) =	vmax.scan.msk.u32 $0xffff, v19;
	v17 =	vsel vm3, $0x7FFFFFFF, v62;
	s3 =	sadd.s32 s3, s10  }
0x17e: {  	v19, _, _ =	vpop (xrf0);
	(xrf0) =	vmax.scan.msk.u32 $0xffff, v17;
	v17 =	vor.u32 s2, v7;
	v18 =	vadd.s32 s3, v18  }
0x17f: {  	vm3 =	vlt.s32 v18, v16  }
0x180: {  	(v2sf) =	vpush v19, $0xF;
	v16 =	vsel vm3, $0x7FFFFFFF, v17  }
0x181: {  	v17, _, _ =	vpop (xrf0);
	(xrf0) =	vmax.scan.msk.u32 $0xffff, v16  }
0x182: {  	(v2sf) =	vpush v17, $0xF  }
0x183: {  	v16, _, _ =	vpop (xrf0)  }
0x184: {  	(v2sf) =	vpush v16, $0xF  }
0x185: {  	v16, _, _ =	vpop (xrf0)  }
0x186: {  	(v2sf) =	vpush v16, $0xF  }
0x187: {  	v16, _, _ =	vpop (xrf0)  }
0x188: {  	s5 =	smov.u32 @p2 s1;
	s1 =	sxor.u32 $0x80000000, s9;
	(v2sf) =	vpush v16, $0xF  }
0x189: {  	p2 =	sgt.s32 s5, s1  }
0x18a: {  	s1 =	smov.u32 @p2 s5;
	s2 =	sxor.u32 $0x80000000, s7  }
0x18b: {  	p2 =	sgt.s32 s1, s2  }
0x18c: {  	s2 =	smov.u32 @p2 s1;
	s1 =	sxor.u32 $0x80000000, s6  }
0x18d: {  	p2 =	sgt.s32 s2, s1  }
0x18e: {  	s1 =	smov.u32 @p2 s2;
	s2 =	sxor.u32 $0x80000000, s22  }
0x18f: {  	p2 =	sgt.s32 s1, s2;
	s13 =	spop (v2sf)  }
0x190: {  	s2 =	smov.u32 @p2 s1;
	s1 =	sxor.u32 $0x80000000, s13  }
0x191: {  	p2 =	sgt.s32 s2, s1;
	s22 =	spop (v2sf)  }
0x192: {  	s1 =	smov.u32 @p2 s2;
	s2 =	sxor.u32 $0x80000000, s22  }
0x193: {  	p2 =	sgt.s32 s1, s2;
	s23 =	spop (v2sf)  }
0x194: {  	s2 =	smov.u32 @p2 s1;
	s1 =	sxor.u32 $0x80000000, s23  }
0x195: {  	s4 =	spop (v2sf);
	p2 =	sgt.s32 s2, s1  }
0x196: {  	s1 =	smov.u32 @p2 s2;
	s2 =	sxor.u32 $0x80000000, s4  }
0x197: {  	s7 =	simm.s32 $0xC00;
	p2 =	sgt.s32 s1, s2;
	s5 =	spop (v2sf)  }
0x198: {  	s8 =	simm.s32 $0xC80;
	v17 =	vld [tilespmem:s7+$0x0];
	s2 =	smov.u32 @p2 s1;
	s1 =	sxor.u32 $0x80000000, s5  }
0x199: {  	v18 =	vld [tilespmem:s8+$0x0];
	p2 =	sgt.s32 s2, s1  }
0x19a: {  	s6 =	simm.s32 $0x0;
	s1 =	smov.u32 @p2 s2  }
0x19b: {  	s9 =	simm.s32 $0x10;
	v19 =	vor.u32 s6, v0;
	v16 =	vmov s1  }
0x19c: {  	vm3 =	vgt.s32 v19, v16;
	v19 =	vor.u32 s9, v0  }
0x19d: {  	v17 =	vnsel vm3, $0x0, v17;
	vm3 =	vgt.s32 v19, v16  }
0x19e: {  	(xrf0) =	vadd.scan.msk.s32 $0xffff, v17;
	v17 =	vnsel vm3, $0x0, v18  }
0x19f: {  	s10 =	simm.s32 $0xD00;
	(xrf0) =	vadd.scan.msk.s32 $0xffff, v17  }
0x1a0: {  	s22 =	simm.s32 $0x20;
	v17 =	vld [tilespmem:s10+$0x0]  }
0x1a1: {  	s23 =	simm.s32 $0x30;
	v19 =	vor.u32 s22, v0  }
0x1a2: {  	vm3 =	vgt.s32 v19, v16;
	v19 =	vor.u32 s23, v0;
	_ =	sdelay $0x1  }
0x1a3: {  	v63, _, _ =	vpop (xrf0)  }
0x1a4: {  	v17 =	vnsel vm3, $0x0, v17;
	vm3 =	vgt.s32 v19, v16;
	(v2sf) =	vpush v63, $0xF;
	v19, _, _ =	vpop (xrf0)  }
0x1a5: {  	(v2sf) =	vpush v19, $0xF;
	_ =	sdelay $0x2  }
0x1a6: {  	s13 =	simm.s32 $0xD80  }
0x1a7: {  	v18 =	vld [tilespmem:s13+$0x0];
	(xrf0) =	vadd.scan.msk.s32 $0xffff, v17;
	_ =	sdelay $0x4  }
0x1a8: {  	s3 =	simm.s32 $0xE00;
	s2 =	simm.s32 $0x40;
	v17 =	vnsel vm3, $0x0, v18  }
.LBB2_14:
0x1a9: {  	v18 =	vld [tilespmem:s3+$0x0];
	p2 =	sne.s32 s2, $0xF0;
	(xrf0) =	vadd.scan.msk.s32 $0xffff, v17;
	v17, _, _ =	vpop (xrf0);
	s4 =	smov.u32 s2;
	s2 =	sadd.s32 $0x10, s2  }
.Ltmp6:
0x1aa: {  	(v2sf) =	vpush v17, $0xF;
	(pc) =	sbr.rel @p2 .LBB2_14-.Ltmp6, $4  }
0x1ab: {  	_ = 	snop  }
0x1ac: {  	v17 =	vor.u32 s4, v0  }
0x1ad: {  	vm3 =	vgt.s32 v17, v16;
	s4 =	spop (v2sf)  }
0x1ae: {  	s3 =	sadd.s32 $0x80, s3;
	v17 =	vnsel vm3, $0x0, v18;
	s31 =	sadd.s32 s31, s4  }
0x1af: {  	(xrf0) =	vadd.scan.msk.s32 $0xffff, v17;
	_ =	sdelay $0x4  }
0x1b0: {  	v16, _, _ =	vpop (xrf0)  }
0x1b1: {  	(v2sf) =	vpush v16, $0xF;
	v16, _, _ =	vpop (xrf0)  }
0x1b2: {  	(v2sf) =	vpush v16, $0xF  }
0x1b3: {  	[tilespmem:$0x400] =	vst v5  }
0x1b4: {  	[tilespmem:$0x480] =	vst v5  }
0x1b5: {  	[tilespmem:$0x500] =	vst v5  }
0x1b6: {  	[tilespmem:$0x580] =	vst v5  }
0x1b7: {  	[tilespmem:$0x600] =	vst v5  }
0x1b8: {  	[tilespmem:$0x680] =	vst v5  }
0x1b9: {  	[tilespmem:$0x700] =	vst v5  }
0x1ba: {  	[tilespmem:$0x780] =	vst v5  }
0x1bb: {  	[tilespmem:$0x800] =	vst v5  }
0x1bc: {  	[tilespmem:$0x880] =	vst v5  }
0x1bd: {  	[tilespmem:$0x900] =	vst v5  }
0x1be: {  	s2 =	spop (v2sf);
	[tilespmem:$0x980] =	vst v5  }
0x1bf: {  	[tilespmem:$0xA00] =	vst v5;
	s2 =	sadd.s32 s31, s2;
	s3 =	spop (v2sf)  }
0x1c0: {  	[tilespmem:$0xA80] =	vst v5;
	s4 =	sshll.u32 s30, $0x8;
	s2 =	sadd.s32 s2, s3;
	s22 =	spop (v2sf)  }
0x1c1: {  	[tilespmem:$0xB00] =	vst v5;
	s30 =	sor.u32 s4, s1;
	s2 =	sadd.s32 s2, s22;
	s23 =	spop (v2sf)  }
0x1c2: {  	[tilespmem:$0xB80] =	vst v5;
	s1 =	simm.s32 $0x40;
	v16 =	vmov s30;
	s31 =	sadd.s32 s2, s23;
	s2 =	simm.s32 $0x0  }
.LBB2_16:
0x1c3: {  	p2 =	sne.s32 s1, $0xFC0;
	v17 =	vld [tilespmem:s2+$0x0];
	_ =	sdelay $0x4  }
0x1c4: {  	v18 =	vxor.u32 $0x7FFFFFFF, v17;
	vm3 =	vlt.s32 v17, $0x0  }
0x1c5: {  	v17 =	vsel vm3, v18, v17  }
0x1c6: {  	v18 =	vshrl.u32 v17, $0x10  }
0x1c7: {  	v19 =	vshrl.u32 v17, $0x8;
	v17 =	vshrl.u32 v17, $0x5;
	v18 =	vxor.u32 v16, v18  }
0x1c8: {  	v19 =	vand.u32 $0xF, v19;
	v17 =	vand.u32 $0x780, v17;
	vm3 =	veq.s32 v18, $0x8000  }
0x1c9: {  	v17 =	vor.u32 v19, v17  }
.Ltmp7:
0x1ca: {  	(pc) =	sbr.rel @p2 .LBB2_16-.Ltmp7, $2  }
0x1cb: {  	_ =	sdelay $0x2  }
0x1cc: {  	s2 =	sshra.s32 s1, $0x2;
	s1 =	sadd.s32 $0x40, s1;
	[tilespmem:v17+s24+$0x0] =	vst.idx.add.s32.msk vm3, v6  }
0x1cd: {  	v17 =	vld [tilespmem:s2+$0x0];
	_ =	sdelay $0x4  }
0x1ce: {  	v18 =	vxor.u32 $0x7FFFFFFF, v17;
	vm3 =	vlt.s32 v17, $0x0  }
0x1cf: {  	v17 =	vsel vm3, v18, v17  }
0x1d0: {  	v18 =	vshrl.u32 v17, $0x10  }
0x1d1: {  	v19 =	vshrl.u32 v17, $0x8;
	v17 =	vshrl.u32 v17, $0x5;
	v16 =	vxor.u32 v16, v18  }
0x1d2: {  	v18 =	vand.u32 $0xF, v19;
	vm3 =	veq.s32 v16, $0x8000;
	v16 =	vand.u32 $0x780, v17  }
0x1d3: {  	v16 =	vor.u32 v18, v16;
	_ =	sdelay $0x4  }
0x1d4: {  	[tilespmem:v16+s24+$0x0] =	vst.idx.add.s32.msk vm3, v6  }
0x1d5: {  	[tilespmem:$0x1400] =	vst v3  }
0x1d6: {  	[spmem:s0] =	stream.indirect.scatter.add.s32 [tilespmem:s24], [sflag:$0x1], $0x10, s26, s25, $0xb8;
	[tilespmem:$0x1A20] =	vst v63  }
0x1d7: {  	_ =	swait.ge [sflag:s21], $0x100  }
0x1d8: {  	[sflag:s21] =	ssyncset.done $0x0  }
0x1d9: {  	[sflag:s21] =	ssyncadd.s32 $0xFFFFFF00  }
0x1da: {  	[bflag:$0x0] =	sbarrier.arrive $0xFFFF  }
0x1db: {  	[tilespmem:s28], [sflag:$0x1] =	stream.linear.gather [spmem:s15], $0x800, $0x38;
	[tilespmem:$0x1A20] =	vst v63  }
0x1dc: {  	_ =	swait.ge [sflag:s21], $0x800  }
0x1dd: {  	[sflag:s21] =	ssyncset.done $0x0  }
0x1de: {  	s3 =	simm.s32 $0x1380;
	[sflag:s21] =	ssyncadd.s32 $0xFFFFF800  }
0x1df: {  	v17 =	vld [tilespmem:s3+$0x0];
	_ =	sdelay $0x4  }
0x1e0: {  	(xrf0) =	vadd.scan.msk.s32 $0xffff, v17;
	_ =	sdelay $0x5  }
0x1e1: {  	v18, _, _ =	vpop (xrf0)  }
0x1e2: {  	s5 =	simm.s32 $0x1300;
	(v2sf) =	vpush v18, $0xF  }
0x1e3: {  	v19 =	vld [tilespmem:s5+$0x0]  }
0x1e4: {  	s6 =	simm.s32 $0x1280  }
0x1e5: {  	v20 =	vld [tilespmem:s6+$0x0]  }
0x1e6: {  	s7 =	simm.s32 $0x1200  }
0x1e7: {  	v21 =	vld [tilespmem:s7+$0x0]  }
0x1e8: {  	(xrf0) =	vadd.scan.msk.s32 $0xffff, v19;
	_ =	sdelay $0x1  }
0x1e9: {  	(xrf0) =	vadd.scan.msk.s32 $0xffff, v20;
	_ =	sdelay $0x1  }
0x1ea: {  	(xrf0) =	vadd.scan.msk.s32 $0xffff, v21;
	_ =	sdelay $0x1  }
0x1eb: {  	s8 =	simm.s32 $0x1180;
	v23, _, _ =	vpop (xrf0)  }
0x1ec: {  	v22 =	vld [tilespmem:s8+$0x0];
	(v2sf) =	vpush v23, $0xF  }
0x1ed: {  	v24, _, _ =	vpop (xrf0)  }
0x1ee: {  	s9 =	spop (v2sf);
	(v2sf) =	vpush v24, $0xF  }
0x1ef: {  	v17 =	vsub.s32 v17, v18;
	v18, _, _ =	vpop (xrf0)  }
0x1f0: {  	(v2sf) =	vpush v18, $0xF  }
0x1f1: {  	s1 =	ssub.s32 $0x1800, s31;
	(xrf0) =	vadd.scan.msk.s32 $0xffff, v22;
	s3 =	sadd.s32 $0x0, s9  }
0x1f2: {  	s4 =	simm.s32 $0xF0;
	v16 =	vmov s1;
	v17 =	vadd.s32 s3, v17  }
0x1f3: {  	v25 =	vor.u32 s4, v7;
	vm3 =	vlt.s32 v17, v16  }
0x1f4: {  	v17 =	vsel vm3, $0x7FFFFFFF, v25  }
0x1f5: {  	(xrf0) =	vmax.scan.msk.u32 $0xffff, v17;
	_ =	sdelay $0x1  }
0x1f6: {  	v61, _, _ =	vpop (xrf0)  }
0x1f7: {  	(v2sf) =	vpush v61, $0xF  }
0x1f8: {  	s10 =	simm.s32 $0x1100  }
0x1f9: {  	v26 =	vld [tilespmem:s10+$0x0]  }
0x1fa: {  	s4 =	simm.s32 $0x1080;
	s13 =	spop (v2sf);
	v17, _, _ =	vpop (xrf0)  }
0x1fb: {  	s2 =	sadd.s32 s3, s13;
	(v2sf) =	vpush v17, $0xF;
	v17 =	vsub.s32 v19, v23;
	v19 =	vld [tilespmem:s4+$0x0]  }
0x1fc: {  	s22 =	simm.s32 $0xE0;
	v17 =	vadd.s32 s2, v17;
	s23 =	spop (v2sf)  }
0x1fd: {  	v20 =	vsub.s32 v20, v24;
	v23 =	vor.u32 s22, v7;
	vm3 =	vlt.s32 v17, v16;
	s2 =	sadd.s32 s2, s23  }
0x1fe: {  	s5 =	simm.s32 $0x1000;
	s6 =	simm.s32 $0xD0;
	(xrf0) =	vadd.scan.msk.s32 $0xffff, v26;
	v17 =	vsel vm3, $0x7FFFFFFF, v23;
	s7 =	spop (v2sf);
	v20 =	vadd.s32 s2, v20  }
0x1ff: {  	v62 =	vld [tilespmem:s5+$0x0];
	v18 =	vsub.s32 v21, v18;
	(xrf0) =	vmax.scan.msk.u32 $0xffff, v17;
	v17 =	vor.u32 s6, v7;
	s2 =	sadd.s32 s2, s7;
	vm3 =	vlt.s32 v20, v16  }
0x200: {  	s8 =	simm.s32 $0xC0;
	(xrf0) =	vadd.scan.msk.s32 $0xffff, v19;
	v18 =	vadd.s32 s2, v18;
	v17 =	vsel vm3, $0x7FFFFFFF, v17  }
0x201: {  	vm3 =	vlt.s32 v18, v16;
	(xrf0) =	vmax.scan.msk.u32 $0xffff, v17;
	v17 =	vor.u32 s8, v7  }
0x202: {  	v18 =	vsel vm3, $0x7FFFFFFF, v17;
	_ =	sdelay $0x1  }
0x203: {  	(xrf0) =	vadd.scan.msk.s32 $0xffff, v62  }
0x204: {  	v21 =	vsub.s32 v22, v61;
	(xrf0) =	vmax.scan.msk.u32 $0xffff, v18;
	v18, _, _ =	vpop (xrf0)  }
0x205: {  	s10 =	spop (v2sf);
	v20, _, _ =	vpop (xrf0);
	(v2sf) =	vpush v18, $0xF  }
0x206: {  	s6 =	sadd.s32 s2, s10;
	v22, _, _ =	vpop (xrf0);
	(v2sf) =	vpush v20, $0xF  }
0x207: {  	v20 =	vadd.s32 s6, v21;
	(v2sf) =	vpush v22, $0xF;
	v21, _, _ =	vpop (xrf0)  }
0x208: {  	(v2sf) =	vpush v21, $0xF;
	_ =	sdelay $0x3  }
0x209: {  	v63, _, _ =	vpop (xrf0)  }
0x20a: {  	s9 =	simm.s32 $0xF80;
	s22 =	spop (v2sf);
	(v2sf) =	vpush v63, $0xF  }
0x20b: {  	v17 =	vld [tilespmem:s9+$0x0];
	_ =	sdelay $0x2  }
0x20c: {  	s1 =	simm.s32 $0xFFFFFFFF;
	s13 =	simm.s32 $0xB0  }
0x20d: {  	s3 =	simm.s32 $0x90;
	s4 =	simm.s32 $0x80;
	v23 =	vor.u32 s13, v7;
	s23 =	simm.s32 $0x70;
	vm3 =	vlt.s32 v20, v16  }
0x20e: {  	s7 =	simm.s32 $0xA0;
	s8 =	simm.s32 $0xF00;
	(xrf0) =	vadd.scan.msk.s32 $0xffff, v17;
	v23 =	vsel vm3, $0x7FFFFFFF, v23;
	s5 =	sxor.u32 $0x80000000, s22  }
0x20f: {  	s2 =	simm.s32 $0x60;
	v20 =	vsub.s32 v26, v18;
	v18 =	vld [tilespmem:s8+$0x0];
	v21 =	vsub.s32 v19, v22;
	s22 =	simm.s32 $0x50;
	v19 =	vsub.s32 v62, v63;
	(xrf0) =	vmax.scan.msk.u32 $0xffff, v23;
	v22, _, _ =	vpop (xrf0);
	p2 =	slt.s32 s5, $0xFFFFFFFF  }
.LBB2_18:
0x210: {  	s9 =	smov.u32 s1  }
0x211: {  	s1 =	smov.u32 s5;
	s13 =	sadd.s32 $0xFFFFFFF0, s22;
	p3 =	seq.s32 s22, $0x0  }
0x212: {  	s10 =	spop (v2sf);
	(v2sf) =	vpush v22, $0xF;
	s1 =	smov.u32 @p2 s9;
	s9 =	smov.u32 s22  }
.Ltmp8:
0x213: {  	s6 =	sadd.s32 s6, s10;
	(pc) =	sbr.rel @!p3 .LBB2_18-.Ltmp8, $4  }
0x214: {  	s8 =	sadd.s32 $0xFFFFFF80, s8;
	v24 =	vor.u32 s7, v7;
	s7 =	smov.u32 s3;
	s3 =	smov.u32 s4;
	(xrf0) =	vadd.scan.msk.s32 $0xffff, v18;
	v22, _, _ =	vpop (xrf0);
	v23 =	vadd.s32 s6, v20;
	v20 =	vmov v21  }
0x215: {  	s4 =	smov.u32 s23;
	s23 =	smov.u32 s2;
	v21 =	vmovc v19;
	(v2sf) =	vpush v22, $0xF;
	vm3 =	vlt.s32 v23, v16;
	s5 =	spop (v2sf);
	v19 =	vsub.s32 v17, v22;
	v17 =	vmovc v18;
	v18 =	vld [tilespmem:s8+$0x0]  }
0x216: {  	s2 =	smov.u32 s9;
	v23 =	vsel vm3, $0x7FFFFFFF, v24;
	s5 =	sxor.u32 $0x80000000, s5  }
0x217: {  	s22 =	smov.u32 s13;
	(xrf0) =	vmax.scan.msk.u32 $0xffff, v23;
	v22, _, _ =	vpop (xrf0);
	p2 =	sgt.s32 s1, s5  }
0x218: {  	_ =	sdelay $0x1  }
0x219: {  	(xrf0) =	vadd.scan.msk.s32 $0xffff, v18;
	_ =	sdelay $0x2  }
0x21a: {  	(v2sf) =	vpush v22, $0xF;
	v57, _, _ =	vpop (xrf0)  }
0x21b: {  	(v2sf) =	vpush v57, $0xF  }
0x21c: {  	v23, _, _ =	vpop (xrf0)  }
0x21d: {  	(v2sf) =	vpush v23, $0xF;
	v58, _, _ =	vpop (xrf0)  }
0x21e: {  	(v2sf) =	vpush v58, $0xF;
	_ =	sdelay $0x5  }
0x21f: {  	s8 =	spop (v2sf)  }
0x220: {  	s9 =	spop (v2sf);
	s6 =	sadd.s32 s6, s8  }
0x221: {  	s13 =	spop (v2sf);
	v20 =	vadd.s32 s6, v20  }
0x222: {  	v59 =	vor.u32 s7, v7;
	vm3 =	vlt.s32 v20, v16;
	s7 =	spop (v2sf)  }
0x223: {  	s6 =	sadd.s32 s6, s13;
	v20 =	vsel vm3, $0x7FFFFFFF, v59;
	s22 =	spop (v2sf)  }
0x224: {  	v60 =	vor.u32 s3, v7;
	v21 =	vadd.s32 s6, v21;
	(xrf0) =	vmax.scan.msk.u32 $0xffff, v20;
	s10 =	sadd.s32 s6, s22;
	s6 =	spop (v2sf)  }
0x225: {  	v61 =	vor.u32 s4, v7;
	vm3 =	vlt.s32 v21, v16;
	v19 =	vadd.s32 s10, v19;
	s13 =	spop (v2sf)  }
0x226: {  	v17 =	vsub.s32 v17, v57;
	v20 =	vsel vm3, $0x7FFFFFFF, v60;
	vm3 =	vlt.s32 v19, v16;
	s3 =	sadd.s32 s10, s13  }
0x227: {  	(xrf0) =	vmax.scan.msk.u32 $0xffff, v20;
	v19 =	vsel vm3, $0x7FFFFFFF, v61;
	v17 =	vadd.s32 s3, v17;
	s22 =	spop (v2sf)  }
0x228: {  	v62 =	vor.u32 s23, v7;
	vm3 =	vlt.s32 v17, v16;
	s10 =	spop (v2sf)  }
0x229: {  	v18 =	vsub.s32 v18, v58;
	(xrf0) =	vmax.scan.msk.u32 $0xffff, v19;
	v17 =	vsel vm3, $0x7FFFFFFF, v62;
	s3 =	sadd.s32 s3, s10  }
0x22a: {  	v19, _, _ =	vpop (xrf0);
	(xrf0) =	vmax.scan.msk.u32 $0xffff, v17;
	v17 =	vor.u32 s2, v7;
	v18 =	vadd.s32 s3, v18  }
0x22b: {  	vm3 =	vlt.s32 v18, v16  }
0x22c: {  	(v2sf) =	vpush v19, $0xF;
	v16 =	vsel vm3, $0x7FFFFFFF, v17  }
0x22d: {  	v17, _, _ =	vpop (xrf0);
	(xrf0) =	vmax.scan.msk.u32 $0xffff, v16  }
0x22e: {  	(v2sf) =	vpush v17, $0xF  }
0x22f: {  	v16, _, _ =	vpop (xrf0)  }
0x230: {  	(v2sf) =	vpush v16, $0xF  }
0x231: {  	v16, _, _ =	vpop (xrf0)  }
0x232: {  	(v2sf) =	vpush v16, $0xF  }
0x233: {  	v16, _, _ =	vpop (xrf0)  }
0x234: {  	s5 =	smov.u32 @p2 s1;
	s1 =	sxor.u32 $0x80000000, s9;
	(v2sf) =	vpush v16, $0xF  }
0x235: {  	p2 =	sgt.s32 s5, s1  }
0x236: {  	s1 =	smov.u32 @p2 s5;
	s2 =	sxor.u32 $0x80000000, s7  }
0x237: {  	p2 =	sgt.s32 s1, s2  }
0x238: {  	s2 =	smov.u32 @p2 s1;
	s1 =	sxor.u32 $0x80000000, s6  }
0x239: {  	p2 =	sgt.s32 s2, s1  }
0x23a: {  	s1 =	smov.u32 @p2 s2;
	s2 =	sxor.u32 $0x80000000, s22  }
0x23b: {  	p2 =	sgt.s32 s1, s2;
	s13 =	spop (v2sf)  }
0x23c: {  	s2 =	smov.u32 @p2 s1;
	s1 =	sxor.u32 $0x80000000, s13  }
0x23d: {  	p2 =	sgt.s32 s2, s1;
	s22 =	spop (v2sf)  }
0x23e: {  	s1 =	smov.u32 @p2 s2;
	s2 =	sxor.u32 $0x80000000, s22  }
0x23f: {  	p2 =	sgt.s32 s1, s2;
	s23 =	spop (v2sf)  }
0x240: {  	s2 =	smov.u32 @p2 s1;
	s1 =	sxor.u32 $0x80000000, s23  }
0x241: {  	s4 =	spop (v2sf);
	p2 =	sgt.s32 s2, s1  }
0x242: {  	s1 =	smov.u32 @p2 s2;
	s2 =	sxor.u32 $0x80000000, s4  }
0x243: {  	s7 =	simm.s32 $0xC00;
	p2 =	sgt.s32 s1, s2;
	s5 =	spop (v2sf)  }
0x244: {  	s8 =	simm.s32 $0xC80;
	v17 =	vld [tilespmem:s7+$0x0];
	s2 =	smov.u32 @p2 s1;
	s1 =	sxor.u32 $0x80000000, s5  }
0x245: {  	v18 =	vld [tilespmem:s8+$0x0];
	p2 =	sgt.s32 s2, s1  }
0x246: {  	s6 =	simm.s32 $0x0;
	s1 =	smov.u32 @p2 s2  }
0x247: {  	s9 =	simm.s32 $0x10;
	v19 =	vor.u32 s6, v0;
	v16 =	vmov s1  }
0x248: {  	vm3 =	vgt.s32 v19, v16;
	v19 =	vor.u32 s9, v0  }
0x249: {  	v17 =	vnsel vm3, $0x0, v17;
	vm3 =	vgt.s32 v19, v16  }
0x24a: {  	(xrf0) =	vadd.scan.msk.s32 $0xffff, v17;
	v17 =	vnsel vm3, $0x0, v18  }
0x24b: {  	s10 =	simm.s32 $0xD00;
	(xrf0) =	vadd.scan.msk.s32 $0xffff, v17  }
0x24c: {  	s22 =	simm.s32 $0x20;
	v17 =	vld [tilespmem:s10+$0x0]  }
0x24d: {  	s23 =	simm.s32 $0x30;
	v19 =	vor.u32 s22, v0  }
0x24e: {  	vm3 =	vgt.s32 v19, v16;
	v19 =	vor.u32 s23, v0;
	_ =	sdelay $0x1  }
0x24f: {  	v63, _, _ =	vpop (xrf0)  }
0x250: {  	v17 =	vnsel vm3, $0x0, v17;
	vm3 =	vgt.s32 v19, v16;
	(v2sf) =	vpush v63, $0xF;
	v19, _, _ =	vpop (xrf0)  }
0x251: {  	(v2sf) =	vpush v19, $0xF;
	_ =	sdelay $0x2  }
0x252: {  	s13 =	simm.s32 $0xD80  }
0x253: {  	v18 =	vld [tilespmem:s13+$0x0];
	(xrf0) =	vadd.scan.msk.s32 $0xffff, v17;
	_ =	sdelay $0x4  }
0x254: {  	s3 =	simm.s32 $0xE00;
	s2 =	simm.s32 $0x40;
	v17 =	vnsel vm3, $0x0, v18  }
.LBB2_20:
0x255: {  	v18 =	vld [tilespmem:s3+$0x0];
	p2 =	sne.s32 s2, $0xF0;
	(xrf0) =	vadd.scan.msk.s32 $0xffff, v17;
	v17, _, _ =	vpop (xrf0);
	s4 =	smov.u32 s2;
	s2 =	sadd.s32 $0x10, s2  }
.Ltmp9:
0x256: {  	(v2sf) =	vpush v17, $0xF;
	(pc) =	sbr.rel @p2 .LBB2_20-.Ltmp9, $4  }
0x257: {  	_ = 	snop  }
0x258: {  	v17 =	vor.u32 s4, v0  }
0x259: {  	vm3 =	vgt.s32 v17, v16;
	s4 =	spop (v2sf)  }
0x25a: {  	s3 =	sadd.s32 $0x80, s3;
	v17 =	vnsel vm3, $0x0, v18;
	s31 =	sadd.s32 s31, s4  }
0x25b: {  	(xrf0) =	vadd.scan.msk.s32 $0xffff, v17;
	_ =	sdelay $0x4  }
0x25c: {  	v16, _, _ =	vpop (xrf0)  }
0x25d: {  	(v2sf) =	vpush v16, $0xF;
	v16, _, _ =	vpop (xrf0)  }
0x25e: {  	(v2sf) =	vpush v16, $0xF  }
0x25f: {  	[tilespmem:$0x400] =	vst v5  }
0x260: {  	[tilespmem:$0x480] =	vst v5  }
0x261: {  	[tilespmem:$0x500] =	vst v5  }
0x262: {  	[tilespmem:$0x580] =	vst v5  }
0x263: {  	[tilespmem:$0x600] =	vst v5  }
0x264: {  	[tilespmem:$0x680] =	vst v5  }
0x265: {  	[tilespmem:$0x700] =	vst v5  }
0x266: {  	[tilespmem:$0x780] =	vst v5  }
0x267: {  	[tilespmem:$0x800] =	vst v5  }
0x268: {  	[tilespmem:$0x880] =	vst v5  }
0x269: {  	[tilespmem:$0x900] =	vst v5  }
0x26a: {  	s2 =	spop (v2sf);
	[tilespmem:$0x980] =	vst v5  }
0x26b: {  	[tilespmem:$0xA00] =	vst v5;
	s2 =	sadd.s32 s31, s2;
	s3 =	spop (v2sf)  }
0x26c: {  	[tilespmem:$0xA80] =	vst v5;
	s4 =	sshll.u32 s30, $0x8;
	s2 =	sadd.s32 s2, s3;
	s23 =	spop (v2sf)  }
0x26d: {  	[tilespmem:$0xB00] =	vst v5;
	s30 =	sor.u32 s4, s1;
	s2 =	sadd.s32 s2, s23;
	s31 =	spop (v2sf)  }
0x26e: {  	[tilespmem:$0xB80] =	vst v5;
	v16 =	vmov s30;
	s3 =	simm.s32 $0x0;
	s1 =	sadd.s32 s2, s31;
	s2 =	simm.s32 $0x40  }
.LBB2_22:
0x26f: {  	p2 =	sne.s32 s2, $0xFC0;
	v17 =	vld [tilespmem:s3+$0x0];
	_ =	sdelay $0x4  }
0x270: {  	v18 =	vxor.u32 $0x7FFFFFFF, v17;
	vm3 =	vlt.s32 v17, $0x0  }
0x271: {  	v17 =	vsel vm3, v18, v17  }
0x272: {  	v18 =	vshrl.u32 v17, $0x8  }
0x273: {  	v19 =	vshll.u32 v17, $0x3;
	v18 =	vxor.u32 v16, v18  }
0x274: {  	v17 =	vand.u32 $0xF, v17;
	vm3 =	veq.s32 v18, $0x800000;
	v18 =	vand.u32 $0x780, v19  }
0x275: {  	v17 =	vor.u32 v17, v18  }
.Ltmp10:
0x276: {  	(pc) =	sbr.rel @p2 .LBB2_22-.Ltmp10, $2  }
0x277: {  	_ =	sdelay $0x2  }
0x278: {  	s3 =	sshra.s32 s2, $0x2;
	s2 =	sadd.s32 $0x40, s2;
	[tilespmem:v17+s24+$0x0] =	vst.idx.add.s32.msk vm3, v6  }
0x279: {  	v17 =	vld [tilespmem:s3+$0x0];
	_ =	sdelay $0x4  }
0x27a: {  	v18 =	vxor.u32 $0x7FFFFFFF, v17;
	vm3 =	vlt.s32 v17, $0x0  }
0x27b: {  	v17 =	vsel vm3, v18, v17  }
0x27c: {  	v18 =	vshrl.u32 v17, $0x8  }
0x27d: {  	v16 =	vxor.u32 v16, v18;
	v18 =	vshll.u32 v17, $0x3  }
0x27e: {  	v17 =	vand.u32 $0xF, v17;
	vm3 =	veq.s32 v16, $0x800000;
	v16 =	vand.u32 $0x780, v18  }
0x27f: {  	v16 =	vor.u32 v17, v16;
	_ =	sdelay $0x4  }
0x280: {  	[tilespmem:v16+s24+$0x0] =	vst.idx.add.s32.msk vm3, v6  }
0x281: {  	[tilespmem:$0x1400] =	vst v4  }
0x282: {  	[spmem:s0] =	stream.indirect.scatter.add.s32 [tilespmem:s24], [sflag:$0x1], $0x10, s26, s25, $0xb8;
	[tilespmem:$0x1A20] =	vst v63  }
0x283: {  	_ =	swait.ge [sflag:s21], $0x100  }
0x284: {  	[sflag:s21] =	ssyncset.done $0x0  }
0x285: {  	[sflag:s21] =	ssyncadd.s32 $0xFFFFFF00  }
0x286: {  	[bflag:$0x0] =	sbarrier.arrive $0xFFFF  }
0x287: {  	[tilespmem:s28], [sflag:$0x1] =	stream.linear.gather [spmem:s16], $0x800, $0x38;
	[tilespmem:$0x1A20] =	vst v63  }
0x288: {  	_ =	swait.ge [sflag:s21], $0x800  }
0x289: {  	[sflag:s21] =	ssyncset.done $0x0  }
0x28a: {  	s9 =	simm.s32 $0x1380;
	[sflag:s21] =	ssyncadd.s32 $0xFFFFF800  }
0x28b: {  	v17 =	vld [tilespmem:s9+$0x0];
	_ =	sdelay $0x4  }
0x28c: {  	(xrf0) =	vadd.scan.msk.s32 $0xffff, v17;
	_ =	sdelay $0x5  }
0x28d: {  	v18, _, _ =	vpop (xrf0)  }
0x28e: {  	s10 =	simm.s32 $0x1300;
	(v2sf) =	vpush v18, $0xF  }
0x28f: {  	v19 =	vld [tilespmem:s10+$0x0]  }
0x290: {  	s13 =	simm.s32 $0x1280  }
0x291: {  	v20 =	vld [tilespmem:s13+$0x0]  }
0x292: {  	s22 =	simm.s32 $0x1200  }
0x293: {  	v21 =	vld [tilespmem:s22+$0x0]  }
0x294: {  	(xrf0) =	vadd.scan.msk.s32 $0xffff, v19;
	_ =	sdelay $0x1  }
0x295: {  	(xrf0) =	vadd.scan.msk.s32 $0xffff, v20;
	_ =	sdelay $0x1  }
0x296: {  	(xrf0) =	vadd.scan.msk.s32 $0xffff, v21;
	_ =	sdelay $0x1  }
0x297: {  	s23 =	simm.s32 $0x1180;
	v23, _, _ =	vpop (xrf0)  }
0x298: {  	v22 =	vld [tilespmem:s23+$0x0];
	(v2sf) =	vpush v23, $0xF  }
0x299: {  	v24, _, _ =	vpop (xrf0)  }
0x29a: {  	s31 =	spop (v2sf);
	(v2sf) =	vpush v24, $0xF  }
0x29b: {  	v17 =	vsub.s32 v17, v18;
	v18, _, _ =	vpop (xrf0)  }
0x29c: {  	(v2sf) =	vpush v18, $0xF  }
0x29d: {  	s1 =	ssub.s32 $0x1800, s1;
	(xrf0) =	vadd.scan.msk.s32 $0xffff, v22;
	s3 =	sadd.s32 $0x0, s31  }
0x29e: {  	s2 =	simm.s32 $0xF0;
	v16 =	vmov s1;
	v17 =	vadd.s32 s3, v17  }
0x29f: {  	v25 =	vor.u32 s2, v7;
	vm3 =	vlt.s32 v17, v16  }
0x2a0: {  	v17 =	vsel vm3, $0x7FFFFFFF, v25  }
0x2a1: {  	(xrf0) =	vmax.scan.msk.u32 $0xffff, v17;
	_ =	sdelay $0x1  }
0x2a2: {  	v61, _, _ =	vpop (xrf0)  }
0x2a3: {  	(v2sf) =	vpush v61, $0xF  }
0x2a4: {  	s4 =	simm.s32 $0x1100  }
0x2a5: {  	v26 =	vld [tilespmem:s4+$0x0]  }
0x2a6: {  	s4 =	simm.s32 $0x1080;
	s5 =	spop (v2sf);
	v17, _, _ =	vpop (xrf0)  }
0x2a7: {  	s2 =	sadd.s32 s3, s5;
	(v2sf) =	vpush v17, $0xF;
	v17 =	vsub.s32 v19, v23;
	v19 =	vld [tilespmem:s4+$0x0]  }
0x2a8: {  	s6 =	simm.s32 $0xE0;
	v17 =	vadd.s32 s2, v17;
	s7 =	spop (v2sf)  }
0x2a9: {  	v20 =	vsub.s32 v20, v24;
	v23 =	vor.u32 s6, v7;
	vm3 =	vlt.s32 v17, v16;
	s2 =	sadd.s32 s2, s7  }
0x2aa: {  	s8 =	simm.s32 $0xD0;
	s5 =	simm.s32 $0x1000;
	(xrf0) =	vadd.scan.msk.s32 $0xffff, v26;
	v17 =	vsel vm3, $0x7FFFFFFF, v23;
	s9 =	spop (v2sf);
	v20 =	vadd.s32 s2, v20  }
0x2ab: {  	v18 =	vsub.s32 v21, v18;
	v62 =	vld [tilespmem:s5+$0x0];
	(xrf0) =	vmax.scan.msk.u32 $0xffff, v17;
	v17 =	vor.u32 s8, v7;
	s2 =	sadd.s32 s2, s9;
	vm3 =	vlt.s32 v20, v16  }
0x2ac: {  	s10 =	simm.s32 $0xC0;
	(xrf0) =	vadd.scan.msk.s32 $0xffff, v19;
	v18 =	vadd.s32 s2, v18;
	v17 =	vsel vm3, $0x7FFFFFFF, v17  }
0x2ad: {  	vm3 =	vlt.s32 v18, v16;
	(xrf0) =	vmax.scan.msk.u32 $0xffff, v17;
	v17 =	vor.u32 s10, v7  }
0x2ae: {  	v18 =	vsel vm3, $0x7FFFFFFF, v17;
	_ =	sdelay $0x1  }
0x2af: {  	(xrf0) =	vadd.scan.msk.s32 $0xffff, v62  }
0x2b0: {  	v21 =	vsub.s32 v22, v61;
	(xrf0) =	vmax.scan.msk.u32 $0xffff, v18;
	v18, _, _ =	vpop (xrf0)  }
0x2b1: {  	s22 =	spop (v2sf);
	v20, _, _ =	vpop (xrf0);
	(v2sf) =	vpush v18, $0xF  }
0x2b2: {  	s6 =	sadd.s32 s2, s22;
	v22, _, _ =	vpop (xrf0);
	(v2sf) =	vpush v20, $0xF  }
0x2b3: {  	v20 =	vadd.s32 s6, v21;
	(v2sf) =	vpush v22, $0xF;
	v21, _, _ =	vpop (xrf0)  }
0x2b4: {  	(v2sf) =	vpush v21, $0xF;
	_ =	sdelay $0x3  }
0x2b5: {  	v63, _, _ =	vpop (xrf0)  }
0x2b6: {  	s13 =	simm.s32 $0xF80;
	s31 =	spop (v2sf);
	(v2sf) =	vpush v63, $0xF  }
0x2b7: {  	v17 =	vld [tilespmem:s13+$0x0];
	_ =	sdelay $0x2  }
0x2b8: {  	s1 =	simm.s32 $0xFFFFFFFF;
	s23 =	simm.s32 $0xB0  }
0x2b9: {  	s3 =	simm.s32 $0x90;
	s4 =	simm.s32 $0x80;
	v23 =	vor.u32 s23, v7;
	s23 =	simm.s32 $0x70;
	vm3 =	vlt.s32 v20, v16  }
0x2ba: {  	s7 =	simm.s32 $0xA0;
	s8 =	simm.s32 $0xF00;
	(xrf0) =	vadd.scan.msk.s32 $0xffff, v17;
	v23 =	vsel vm3, $0x7FFFFFFF, v23;
	s5 =	sxor.u32 $0x80000000, s31  }
0x2bb: {  	s2 =	simm.s32 $0x60;
	s22 =	simm.s32 $0x50;
	v20 =	vsub.s32 v26, v18;
	v18 =	vld [tilespmem:s8+$0x0];
	v21 =	vsub.s32 v19, v22;
	v19 =	vsub.s32 v62, v63;
	(xrf0) =	vmax.scan.msk.u32 $0xffff, v23;
	v22, _, _ =	vpop (xrf0);
	p2 =	slt.s32 s5, $0xFFFFFFFF  }
.LBB2_24:
0x2bc: {  	s9 =	smov.u32 s1  }
0x2bd: {  	s1 =	smov.u32 s5;
	s13 =	sadd.s32 $0xFFFFFFF0, s22;
	p3 =	seq.s32 s22, $0x0  }
0x2be: {  	s10 =	spop (v2sf);
	(v2sf) =	vpush v22, $0xF;
	s1 =	smov.u32 @p2 s9;
	s9 =	smov.u32 s22  }
.Ltmp11:
0x2bf: {  	s6 =	sadd.s32 s6, s10;
	(pc) =	sbr.rel @!p3 .LBB2_24-.Ltmp11, $4  }
0x2c0: {  	s8 =	sadd.s32 $0xFFFFFF80, s8;
	v24 =	vor.u32 s7, v7;
	s7 =	smov.u32 s3;
	s3 =	smov.u32 s4;
	(xrf0) =	vadd.scan.msk.s32 $0xffff, v18;
	v22, _, _ =	vpop (xrf0);
	v23 =	vadd.s32 s6, v20;
	v20 =	vmov v21  }
0x2c1: {  	s4 =	smov.u32 s23;
	s23 =	smov.u32 s2;
	v21 =	vmovc v19;
	(v2sf) =	vpush v22, $0xF;
	vm3 =	vlt.s32 v23, v16;
	s5 =	spop (v2sf);
	v19 =	vsub.s32 v17, v22;
	v17 =	vmovc v18;
	v18 =	vld [tilespmem:s8+$0x0]  }
0x2c2: {  	s2 =	smov.u32 s9;
	v23 =	vsel vm3, $0x7FFFFFFF, v24;
	s5 =	sxor.u32 $0x80000000, s5  }
0x2c3: {  	s22 =	smov.u32 s13;
	(xrf0) =	vmax.scan.msk.u32 $0xffff, v23;
	v22, _, _ =	vpop (xrf0);
	p2 =	sgt.s32 s1, s5  }
0x2c4: {  	_ =	sdelay $0x1  }
0x2c5: {  	(xrf0) =	vadd.scan.msk.s32 $0xffff, v18;
	_ =	sdelay $0x2  }
0x2c6: {  	(v2sf) =	vpush v22, $0xF;
	v56, _, _ =	vpop (xrf0)  }
0x2c7: {  	(v2sf) =	vpush v56, $0xF  }
0x2c8: {  	v23, _, _ =	vpop (xrf0)  }
0x2c9: {  	(v2sf) =	vpush v23, $0xF;
	v57, _, _ =	vpop (xrf0)  }
0x2ca: {  	(v2sf) =	vpush v57, $0xF;
	_ =	sdelay $0x5  }
0x2cb: {  	s8 =	spop (v2sf)  }
0x2cc: {  	s9 =	spop (v2sf);
	s6 =	sadd.s32 s6, s8  }
0x2cd: {  	s22 =	spop (v2sf);
	v20 =	vadd.s32 s6, v20  }
0x2ce: {  	v58 =	vor.u32 s7, v7;
	vm3 =	vlt.s32 v20, v16;
	s7 =	spop (v2sf)  }
0x2cf: {  	s6 =	sadd.s32 s6, s22;
	v20 =	vsel vm3, $0x7FFFFFFF, v58;
	s31 =	spop (v2sf)  }
0x2d0: {  	v21 =	vadd.s32 s6, v21;
	(xrf0) =	vmax.scan.msk.u32 $0xffff, v20;
	s10 =	spop (v2sf)  }
0x2d1: {  	v59 =	vor.u32 s3, v7;
	vm3 =	vlt.s32 v21, v16;
	s8 =	sadd.s32 s6, s31;
	s13 =	spop (v2sf)  }
0x2d2: {  	v17 =	vsub.s32 v17, v56;
	v20 =	vsel vm3, $0x7FFFFFFF, v59;
	v19 =	vadd.s32 s8, v19;
	s3 =	sadd.s32 s8, s13  }
0x2d3: {  	v60 =	vor.u32 s4, v7;
	(xrf0) =	vmax.scan.msk.u32 $0xffff, v20;
	vm3 =	vlt.s32 v19, v16;
	v17 =	vadd.s32 s3, v17;
	s22 =	spop (v2sf)  }
0x2d4: {  	v61 =	vor.u32 s23, v7;
	v19 =	vsel vm3, $0x7FFFFFFF, v60;
	vm3 =	vlt.s32 v17, v16;
	s31 =	spop (v2sf)  }
0x2d5: {  	v62 =	vsub.s32 v18, v57;
	(xrf0) =	vmax.scan.msk.u32 $0xffff, v19;
	v17 =	vsel vm3, $0x7FFFFFFF, v61;
	s3 =	sadd.s32 s3, s31  }
0x2d6: {  	v63, _, _ =	vpop (xrf0);
	(xrf0) =	vmax.scan.msk.u32 $0xffff, v17;
	v17 =	vor.u32 s2, v7;
	v18 =	vadd.s32 s3, v62  }
0x2d7: {  	vm3 =	vlt.s32 v18, v16  }
0x2d8: {  	(v2sf) =	vpush v63, $0xF;
	v16 =	vsel vm3, $0x7FFFFFFF, v17  }
0x2d9: {  	v17, _, _ =	vpop (xrf0);
	(xrf0) =	vmax.scan.msk.u32 $0xffff, v16  }
0x2da: {  	v8 =	vmax.f32 v8, v9;
	(v2sf) =	vpush v17, $0xF  }
0x2db: {  	v8 =	vmax.f32 v8, v10;
	v16, _, _ =	vpop (xrf0)  }
0x2dc: {  	v8 =	vmax.f32 v8, v11;
	(v2sf) =	vpush v16, $0xF  }
0x2dd: {  	v8 =	vmax.f32 v8, v12;
	v16, _, _ =	vpop (xrf0)  }
0x2de: {  	v8 =	vmax.f32 v8, v13;
	(v2sf) =	vpush v16, $0xF  }
0x2df: {  	v8 =	vmax.f32 v8, v14;
	v16, _, _ =	vpop (xrf0)  }
0x2e0: {  	s5 =	smov.u32 @p2 s1;
	s1 =	sxor.u32 $0x80000000, s9;
	v8 =	vmax.f32 v8, v15;
	(v2sf) =	vpush v16, $0xF  }
0x2e1: {  	p2 =	sgt.s32 s5, s1;
	(xrf0) =	vmax.scan.msk.f32 $0xffff, v8  }
0x2e2: {  	s1 =	smov.u32 @p2 s5;
	s2 =	sxor.u32 $0x80000000, s7  }
0x2e3: {  	p2 =	sgt.s32 s1, s2  }
0x2e4: {  	s23 =	simm.s32 $0x0;
	s2 =	smov.u32 @p2 s1;
	s1 =	sxor.u32 $0x80000000, s10  }
0x2e5: {  	v14 =	vld [tilespmem:s23+$0x0];
	p2 =	sgt.s32 s2, s1  }
0x2e6: {  	s1 =	smov.u32 @p2 s2;
	s2 =	sxor.u32 $0x80000000, s22  }
0x2e7: {  	s7 =	spop (v2sf);
	s22 =	sshll.u32 s30, $0x8;
	p2 =	sgt.s32 s1, s2;
	v9, _, _ =	vpop (xrf0)  }
0x2e8: {  	s30 =	simm.s32 $0x10;
	s2 =	smov.u32 @p2 s1;
	s1 =	sxor.u32 $0x80000000, s7;
	v12 =	vbroadcast v9, $0xF  }
0x2e9: {  	v11 =	vld [tilespmem:s30+$0x0];
	p2 =	sgt.s32 s2, s1;
	s8 =	spop (v2sf)  }
0x2ea: {  	s1 =	smov.u32 @p2 s2;
	v13 =	vsub.f32 v14, v12;
	s2 =	sxor.u32 $0x80000000, s8  }
0x2eb: {  	p2 =	sgt.s32 s1, s2;
	s9 =	spop (v2sf)  }
0x2ec: {  	v13 =	vmul.f32 $1.442695020e+00, v13;
	s2 =	smov.u32 @p2 s1;
	s1 =	sxor.u32 $0x80000000, s9  }
0x2ed: {  	s10 =	spop (v2sf);
	p2 =	sgt.s32 s2, s1  }
0x2ee: {  	v15 =	vsub.f32 v11, v12;
	(erf) = vpow2.f32 v13;
	s1 =	smov.u32 @p2 s2;
	s2 =	sxor.u32 $0x80000000, s10  }
0x2ef: {  	p2 =	sgt.s32 s1, s2;
	s13 =	spop (v2sf)  }
0x2f0: {  	s31 =	simm.s32 $0x20;
	v15 =	vmul.f32 $1.442695020e+00, v15;
	s2 =	smov.u32 @p2 s1;
	s1 =	sxor.u32 $0x80000000, s13  }
0x2f1: {  	v13 =	vld [tilespmem:s31+$0x0];
	p2 =	sgt.s32 s2, s1  }
0x2f2: {  	(erf) = vpow2.f32 v15;
	s1 =	smov.u32 @p2 s2  }
0x2f3: {  	s1 =	sor.u32 s22, s1  }
0x2f4: {  	v10 =	vimm.f32 $0.0e+00;
	s1 =	sxor.u32 $0x80000000, s1  }
0x2f5: {  	s4 =	simm.s32 $0x1480;
	vm3 =	vlt.s32 v14, $0x0;
	v15 =	vxor.u32 $0x7FFFFFFF, v14;
	v8 =	vmov s1;
	s1 =	simm.s32 $0xC0  }
.LBB2_26:
0x2f6: {  	s2 =	sshra.s32 s1, $0x2;
	p2 =	sne.s32 s1, $0xFC0;
	s1 =	sadd.s32 $0x40, s1;
	v16 =	vsub.f32 v13, v12;
	v17 =	vsel vm3, v15, v14;
	v14 =	vmovc v11;
	v11 =	vmov v13  }
.Ltmp12:
0x2f7: {  	v13 =	vld [tilespmem:s2+$0x0];
	vm3 =	vlt.s32 v17, v8;
	v15 =	vpop (erf);
	(pc) =	sbr.rel @p2 .LBB2_26-.Ltmp12, $4  }
0x2f8: {  	v16 =	vmul.f32 $1.442695020e+00, v16;
	v15 =	vsel vm3, $0x0, v15  }
0x2f9: {  	v10 =	vadd.f32 v15, v10  }
0x2fa: {  	(erf) = vpow2.f32 v16  }
0x2fb: {  	vm3 =	vlt.s32 v14, $0x0;
	v15 =	vxor.u32 $0x7FFFFFFF, v14  }
0x2fc: {  	v12 =	vsub.f32 v13, v12;
	_ =	sdelay $0x1  }
0x2fd: {  	v12 =	vmul.f32 $1.442695020e+00, v12;
	_ =	sdelay $0x1  }
0x2fe: {  	(erf) = vpow2.f32 v12;
	_ =	sdelay $0x2  }
0x2ff: {  	v58 =	vsel vm3, v15, v14  }
0x300: {  	v59 =	vpop (erf);
	vm3 =	vlt.s32 v58, v8  }
0x301: {  	v60 =	vxor.u32 $0x7FFFFFFF, v11;
	v12 =	vsel vm3, $0x0, v59;
	vm3 =	vlt.s32 v11, $0x0  }
0x302: {  	v62 =	vxor.u32 $0x7FFFFFFF, v13;
	v11 =	vsel vm3, v60, v11  }
0x303: {  	vm4 =	vlt.s32 v13, $0x0;
	v10 =	vadd.f32 v12, v10;
	vm3 =	vlt.s32 v11, v8;
	v61 =	vpop (erf)  }
0x304: {  	v12 =	vsel vm4, v62, v13;
	v11 =	vsel vm3, $0x0, v61  }
0x305: {  	vm3 =	vlt.s32 v12, v8;
	v10 =	vadd.f32 v11, v10;
	v63 =	vpop (erf)  }
0x306: {  	v11 =	vsel vm3, $0x0, v63  }
0x307: {  	v10 =	vadd.f32 v11, v10;
	_ =	sdelay $0x1  }
0x308: {  	(xrf2) =	vadd.scan.msk.f32 $0xffff, v10;
	_ =	sdelay $0x9  }
0x309: {  	v10, _, _ =	vpop (xrf2)  }
0x30a: {  	v10 =	vbroadcast v10, $0xF;
	_ =	sdelay $0x1  }
0x30b: {  	v10 =	vnsel vm0, $0x0, v10  }
0x30c: {  	[tilespmem:$0x1480] =	vst v10  }
0x30d: {  	[spmem:s17] =	stream.linear.scatter [tilespmem:s4], [sflag:$0x1], $0x80, $0x38;
	[tilespmem:$0x1A20] =	vst v63  }
0x30e: {  	_ =	swait.ge [sflag:s21], $0x80  }
0x30f: {  	[sflag:s21] =	ssyncset.done $0x0  }
0x310: {  	[sflag:s21] =	ssyncadd.s32 $0xFFFFFF80  }
0x311: {  	s1 =	simm.s32 @!p1 $0x1500;
	[bflag:$0x0] =	sbarrier.arrive $0xFFFF  }
0x312: {  	[tilespmem:s1], [sflag:$0x1] =	stream.linear.gather @!p1 [spmem:s18], $0x400, $0x38;
	[tilespmem:$0x1A20] =	vst v63  }
0x313: {  	s1 =	simm.s32 @!p1 $0x1  }
0x314: {  	_ =	swait.ge @!p1 [sflag:s1], $0x400  }
0x315: {  	[sflag:s1] =	ssyncset.done @!p1 $0x0  }
0x316: {  	[sflag:s1] =	ssyncadd.s32 @!p1 $0xFFFFFC00  }
0x317: {  	v10 =	vld @!p1 [tilespmem:$0x1500];
	_ =	sdelay $0x1  }
0x318: {  	v11 =	vld @!p1 [tilespmem:$0x1580];
	_ =	sdelay $0x1  }
0x319: {  	v12 =	vld @!p1 [tilespmem:$0x1600]  }
0x31a: {  	v10 =	vadd.f32 @!p1 $0.0e+00, v10  }
0x31b: {  	v13 =	vld @!p1 [tilespmem:$0x1680]  }
0x31c: {  	v10 =	vadd.f32 @!p1 v11, v10  }
0x31d: {  	v11 =	vld @!p1 [tilespmem:$0x1700]  }
0x31e: {  	v10 =	vadd.f32 @!p1 v12, v10  }
0x31f: {  	v12 =	vld @!p1 [tilespmem:$0x1780]  }
0x320: {  	v10 =	vadd.f32 @!p1 v13, v10  }
0x321: {  	v13 =	vld @!p1 [tilespmem:$0x1800]  }
0x322: {  	v10 =	vadd.f32 @!p1 v11, v10  }
0x323: {  	v11 =	vld @!p1 [tilespmem:$0x1880]  }
0x324: {  	v10 =	vadd.f32 @!p1 v12, v10;
	_ =	sdelay $0x1  }
0x325: {  	v10 =	vadd.f32 @!p1 v13, v10;
	_ =	sdelay $0x1  }
0x326: {  	v10 =	vadd.f32 @!p1 v11, v10;
	_ =	sdelay $0x1  }
0x327: {  	(xrf2) =	vadd.scan.msk.f32 @!p1 $0xffff, v10;
	_ =	sdelay $0x9  }
0x328: {  	v10, _, _ =	vpop @!p1 (xrf2)  }
0x329: {  	v9 =	vbroadcast @!p1 v9, $0xF;
	v10 =	vbroadcast @!p1 v10, $0xF;
	_ =	sdelay $0x1  }
0x32a: {  	s29 =	sadd.s32 $0x1, s29;
	v9 =	vsel @!p1 vm1, v10, v9  }
0x32b: {  	p2 =	sne.s32 s29, s20;
	v8 =	vsel @!p1 vm2, v8, v9  }
.Ltmp13:
0x32c: {  	s2 =	simm.s32 @!p1 $0x0;
	s3 =	simm.s32 @!p1 $0x1900;
	[tilespmem:$0x1900] =	vst @!p1 v8;
	(pc) =	sbr.rel @p2 .LBB2_1-.Ltmp13, $4  }
0x32d: {  	[hbm4b:s19+s2] =	stream.linear.scatter @!p1 [tilespmem:s3], [sflag:$0x1], $0x80, $0x38;
	[tilespmem:$0x1A20] =	vst v63  }
0x32e: {  	_ =	swait.ge @!p1 [sflag:s1], $0x80  }
0x32f: {  	[sflag:s1] =	ssyncset.done @!p1 $0x0  }
0x330: {  	[sflag:s1] =	ssyncadd.s32 @!p1 $0xFFFFFF80  }
0x331: {  	_ =	sfence.sel $0x180000  }
0x332: {  	[bflag:$0x0] =	sbarrier.arrive $0xFFFF  }
0x333: {  	_ =	strace $0x90000047  }
0x334: {  	[bflag:$0x2] =	sbarrier.arrive $0xFFFF  }
0x335: {  	s0 =	rddreg [dreg:$0x4]  }
0x336: {  	s0 =	sadd.s32 @!p0 $0x100000, s0  }
0x337: {  	[sflag:s0] =	ssyncadd.tile.s32 @!p0 $0x1;
	_ =	shalt  }
.Lfunc_end2:
_tile_overlayer_lowered:
.L_overlay_start_2:
0x338: {  	(tag) =	ssettag $0x2  }
0x339: {  	s0 =	rddreg [dreg:$0x0];
	s2 =	stileid.u32  }
0x33a: {  	s1 =	rddreg [dreg:$0x1];
	p0 =	sne.s32 s2, $0x0  }
0x33b: {  	s3 =	rddreg [dreg:$0x2];
	[bflag:$0x3] =	sbarrier.arrive $0xFFFF;
	s2 =	simm.s32 @!p0 $0x1C01  }
0x33c: {  	[timem:s3], [sflag:s2] =	dma.local @!p0 [hbm:s0], s1  }
0x33d: {  	s0 =	simm.s32 @!p0 $0x1  }
0x33e: {  	_ =	swait.ge @!p0 [sflag:s0], s1  }
0x33f: {  	s1 =	ssub.s32 @!p0 $0x0, s1;
	[sflag:s0] =	ssyncset.done @!p0 $0x0  }
0x340: {  	[sflag:s0] =	ssyncadd.s32 @!p0 s1  }
0x341: {  	[bflag:$0x3] =	sbarrier.arrive $0xFFFF  }
0x342: {  	_ =	shalt  }

</sc_bundles>
